<compile_context>
chip_gen: v7x
topology: tpu7x:2x2x1
jax: 0.10.2.dev20260603
libtpu: 0.0.44.dev20260713+nightly
codegen_flags: <defaults>
</compile_context>

<pallas_src>
import functools

import jax
import jax.numpy as jnp
from jax import lax
from jax.experimental import pallas as pl
from jax.experimental.pallas import tpu as pltpu
from jax.experimental.pallas import tpu_sc as plsc

B = 64
K = 16
D = 128
OUT_ROWS = 100000
T = 0.07
F32 = jnp.float32

NW = 32
ROWS = B * B * K
CHUNK = 128

IB = 8
NEG_BLK = IB * B * K
PAIRS_BLK = IB * B

SPLIT1 = 4
NSTEPS = B // IB
ROWS_PER_STEP = NEG_BLK


def _sc_gather(table, idx2d):
    n = idx2d.shape[0] * CHUNK
    nchunk = n // NW // CHUNK
    rows_per_w = n // NW
    idx3d = idx2d.reshape(NW, nchunk, CHUNK)
    nbuf = 4
    mesh = plsc.VectorSubcoreMesh(core_axis_name="c", subcore_axis_name="s")

    @functools.partial(
        pl.kernel,
        out_type=jax.ShapeDtypeStruct((n, D), F32),
        mesh=mesh,
        scratch_types=[
            pltpu.VMEM((nchunk, CHUNK), jnp.int32),
            pltpu.VMEM((nbuf, CHUNK, D), F32),
        ] + [pltpu.SemaphoreType.DMA] * (2 * nbuf),
    )
    def k(table_hbm, idx_hbm, out_hbm, idx_v, buf, *sems):
        gsems, wsems = sems[:nbuf], sems[nbuf:]
        wid = lax.axis_index("s") * 2 + lax.axis_index("c")
        pltpu.sync_copy(idx_hbm.at[wid], idx_v)
        g = [None] * nbuf
        w = [None] * nbuf
        for c in range(nchunk):
            b = c % nbuf
            if c >= nbuf:
                w[b].wait()
            g[b] = pltpu.async_copy(table_hbm.at[idx_v.at[c]], buf.at[b],
                                    gsems[b])
            if c >= nbuf - 2:
                cc = c - (nbuf - 2)
                bb = cc % nbuf
                g[bb].wait()
                w[bb] = pltpu.async_copy(
                    buf.at[bb],
                    out_hbm.at[pl.ds(wid * rows_per_w + cc * CHUNK, CHUNK)],
                    wsems[bb])
        for cc in range(max(0, nchunk - (nbuf - 2)), nchunk):
            bb = cc % nbuf
            g[bb].wait()
            w[bb] = pltpu.async_copy(
                buf.at[bb],
                out_hbm.at[pl.ds(wid * rows_per_w + cc * CHUNK, CHUNK)],
                wsems[bb])
        for cc in range(max(0, nchunk - nbuf), nchunk):
            w[cc % nbuf].wait()

    return k(table, idx3d)


def _l2n(x):
    return x / jnp.sqrt(jnp.sum(x * x, axis=1, keepdims=True))


def _dot_wt(x, w_ref):
    return lax.dot_general(x, w_ref[...], (((1,), (1,)), ((), ())),
                           preferred_element_type=F32)


def _neg_stage(neg_ref, wsq, ball, msv, htb, pcol, out_ref):
    dot = _dot_wt
    wmtsq, wmts, whts = wsq[384:512], wsq[640:768], wsq[896:1024]
    bmtsq, bmts, bhts = ball[5:6], ball[7:8], ball[9:10]
    x = neg_ref[0]
    q = dot(x, wmtsq) + bmtsq
    q3 = q.reshape(PAIRS_BLK, K, D)
    msv_blk = jnp.concatenate([msv] * IB, axis=0)
    rn_in = jnp.maximum(msv_blk[:, None, :] - q3, 0.0).reshape(NEG_BLK, D)
    rn = dot(rn_in, wmts) + bmts
    hn = dot(rn, whts) + bhts
    hn3 = hn.reshape(PAIRS_BLK, K, D)
    u = jnp.sum(hn3 * htb[:, None, :], axis=2)
    v = jnp.sum(hn3 * hn3, axis=2)
    dn = u * lax.rsqrt(v)
    val = jnp.concatenate(
        [jnp.exp(pcol / T - 1.0 / T), jnp.exp(dn / T - 1.0 / T)], axis=1)
    out_ref[0] = val


def _small_body(s_ref, t_ref, wemb_ref, wsq_ref, ball_ref,
                ht_ref, msv_ref, pos_ref):
    dot = _dot_wt
    wemb = wemb_ref[...]
    wsq = wsq_ref[...]
    ball = ball_ref[...]
    se = dot(s_ref[...], wemb[0:D]) + ball[0:1]
    te = dot(t_ref[...], wemb[D:2 * D]) + ball[1:2]
    m_t_v = dot(te, wsq[0:D]) + ball[2:3]
    m_t_q = dot(te, wsq[D:2 * D]) + ball[3:4]
    m_t_s_v = dot(te, wsq[2 * D:3 * D]) + ball[4:5]
    q_pos = dot(se, wsq[3 * D:4 * D]) + ball[5:6]
    msv_ref[...] = m_t_s_v
    rt_in = jnp.maximum(m_t_v[None, :, :] - m_t_q[:, None, :], 0.0)
    r = dot(rt_in.reshape(B * B, D), wsq[4 * D:5 * D]) + ball[6:7]
    h_t = _l2n(dot(r, wsq[6 * D:7 * D]) + ball[8:9])
    ht_ref[...] = h_t
    rp_in = jnp.maximum(m_t_s_v[None, :, :] - q_pos[:, None, :], 0.0)
    rp = dot(rp_in.reshape(B * B, D), wsq[5 * D:6 * D]) + ball[7:8]
    hp = _l2n(dot(rp, wsq[7 * D:8 * D]) + ball[9:10])
    pos_ref[...] = jnp.sum(h_t * hp, axis=1, keepdims=True)


def _tc_small(s, t, wemb, wsq, ball):
    w_spec = lambda shp: pl.BlockSpec(shp, lambda: (0,) * len(shp))
    return pl.pallas_call(
        _small_body,
        in_specs=[w_spec((B, 256)), w_spec((B, 256)), w_spec(wemb.shape),
                  w_spec(wsq.shape), w_spec(ball.shape)],
        out_specs=[w_spec((B * B, D)), w_spec((B, D)), w_spec((B * B, 1))],
        out_shape=[
            jax.ShapeDtypeStruct((B * B, D), F32),
            jax.ShapeDtypeStruct((B, D), F32),
            jax.ShapeDtypeStruct((B * B, 1), F32),
        ],
    )(s, t, wemb, wsq, ball)


def _neg_body_nodst(neg_ref, ht_ref, msv_ref, pos_ref, wsq_ref, ball_ref,
                    out_ref):
    _neg_stage(neg_ref, wsq_ref[...], ball_ref[...],
               msv_ref[...], ht_ref[0], pos_ref[0], out_ref)


def _neg_body_dst(neg_ref, ht_ref, msv_ref, pos_ref, wsq_ref, ball_ref,
                  dst_ref, out_ref):
    del dst_ref
    _neg_stage(neg_ref, wsq_ref[...], ball_ref[...],
               msv_ref[...], ht_ref[0], pos_ref[0], out_ref)


def _tc_neg(neg_half, h_t, m_t_s_v, pos, wsq, ball, off, ngrid, dst=None):
    w_spec = lambda shp: pl.BlockSpec(shp, lambda i: (0,) * len(shp))
    in_specs = [
        pl.BlockSpec((1, NEG_BLK, D), lambda i: (i, 0, 0)),
        pl.BlockSpec((1, PAIRS_BLK, D), lambda i: (off + i, 0, 0)),
        w_spec((B, D)),
        pl.BlockSpec((1, PAIRS_BLK, 1), lambda i: (off + i, 0, 0)),
        w_spec(wsq.shape),
        w_spec(ball.shape),
    ]
    args = [neg_half.reshape(ngrid, NEG_BLK, D),
            h_t.reshape(B * B // PAIRS_BLK, PAIRS_BLK, D), m_t_s_v,
            pos.reshape(B * B // PAIRS_BLK, PAIRS_BLK, 1),
            wsq, ball]
    aliases = {}
    body = _neg_body_nodst
    if dst is not None:
        in_specs.append(
            pl.BlockSpec((1, PAIRS_BLK, K + 1), lambda i: (off + i, 0, 0)))
        args.append(dst)
        aliases = {6: 0}
        body = _neg_body_dst
    return pl.pallas_call(
        body,
        grid=(ngrid,),
        in_specs=in_specs,
        out_specs=pl.BlockSpec((1, PAIRS_BLK, K + 1),
                               lambda i: (off + i, 0, 0)),
        out_shape=jax.ShapeDtypeStruct((B * B // PAIRS_BLK, PAIRS_BLK, K + 1),
                                       F32),
        input_output_aliases=aliases,
    )(*args)


def kernel(s, t, y, idx, memory_s,
           W_embed_s, b_embed_s, W_embed_t, b_embed_t,
           W_mtv, b_mtv, W_mtq, b_mtq, W_mtsv, b_mtsv, W_mtsq, b_mtsq,
           W_mt, b_mt, W_mts, b_mts, W_ht, b_ht, W_hts, b_hts):
    idx2d = idx.astype(jnp.int32).reshape(ROWS // 128, 128)
    split_rows = SPLIT1 * ROWS_PER_STEP // 128
    neg1 = _sc_gather(memory_s, idx2d[:split_rows])
    neg2 = _sc_gather(memory_s, idx2d[split_rows:])

    wemb = jnp.concatenate([W_embed_s, W_embed_t], axis=0)
    wsq = jnp.concatenate([W_mtv, W_mtq, W_mtsv, W_mtsq,
                           W_mt, W_mts, W_ht, W_hts], axis=0)
    ball = jnp.stack([b_embed_s, b_embed_t, b_mtv, b_mtq, b_mtsv,
                      b_mtsq, b_mt, b_mts, b_ht, b_hts], axis=0)
    h_t, m_t_s_v, pos = _tc_small(s, t, wemb, wsq, ball)
    out1 = _tc_neg(neg1, h_t, m_t_s_v, pos, wsq, ball, 0, SPLIT1)
    out2 = _tc_neg(neg2, h_t, m_t_s_v, pos, wsq, ball, SPLIT1,
                   NSTEPS - SPLIT1, dst=out1)
    return out2.reshape(B * B, K + 1, 1)

# --- scband reference (transcript-rebuilt; emitter-appended) ---
"""Pipeline reference for scband-relation-memory-16192026706627 (READ-ONLY COPY).

The authoritative reference and input builder live on the scoring server;
editing this copy changes nothing except your own understanding.
"""

import jax, jax.numpy as jnp
import numpy as np

B = 64
DS = 256
DT = 256
D = 128
OUT = 100000
K = 16
T = 0.07

WNAMES = ["W_embed_s","b_embed_s","W_embed_t","b_embed_t","W_mtv","b_mtv","W_mtq","b_mtq","W_mtsv","b_mtsv","W_mtsq","b_mtsq","W_mt","b_mt","W_mts","b_mts","W_ht","b_ht","W_hts","b_hts"]
WSHAPES = [(D,DS),(D,),(D,DT),(D,),(D,D),(D,),(D,D),(D,),(D,D),(D,),(D,D),(D,),(D,D),(D,),(D,D),(D,),(D,D),(D,),(D,D),(D,)]

def _linear(x, W, b):
    return jnp.dot(x, W.T) + b

def _l2norm(x, axis):
    norm = jnp.power(jnp.sum(jnp.power(x, 2), axis=axis, keepdims=True), 0.5)
    return x / norm

def setup_inputs(seed: int = 0):
    key = jax.random.key(seed)
    ks = jax.random.split(key, 5 + len(WNAMES))
    inp = {}
    inp["s"] = jax.random.normal(ks[0], (B, DS), dtype=jnp.float32)
    inp["t"] = jax.random.normal(ks[1], (B, DT), dtype=jnp.float32)
    inp["y"] = jax.random.randint(ks[2], (B,), 0, OUT)
    inp["idx"] = jax.random.randint(ks[3], (B, B, K), 0, OUT)
    stdv = 1.0 / np.sqrt(D / 3.0)
    inp["memory_s"] = jax.random.uniform(ks[4], (OUT, D), minval=-stdv, maxval=stdv, dtype=jnp.float32)
    for i, (n, shp) in enumerate(zip(WNAMES, WSHAPES)):
        inp[n] = jax.random.normal(ks[5 + i], shp, dtype=jnp.float32) * 0.02
    return inp

def _forward(s, t, idx, memory_s, W_embed_s, b_embed_s, W_embed_t, b_embed_t, W_mtv, b_mtv, W_mtq, b_mtq, W_mtsv, b_mtsv, W_mtsq, b_mtsq, W_mt, b_mt, W_mts, b_mts, W_ht, b_ht, W_hts, b_hts):
    bs = s.shape[0]
    idx2 = idx.reshape(bs, bs, -1)[:, :, :K]
    # detached gather of negatives from the memory bank (SparseCore-style row gather)
    neg_s = jax.lax.stop_gradient(jnp.take(memory_s, idx2.reshape(-1), axis=0)).reshape(bs, bs, K, D)
    se = _linear(s, W_embed_s, b_embed_s)
    te = _linear(t, W_embed_t, b_embed_t)
    m_t_v = _linear(te, W_mtv, b_mtv)
    m_t_q = _linear(te, W_mtq, b_mtq)
    m_t_s_v = _linear(te, W_mtsv, b_mtsv)
    m_t_s_q_pos = _linear(se, W_mtsq, b_mtsq)
    m_t_s_q_neg = _linear(neg_s, W_mtsq, b_mtsq)
    r_t = _linear(jax.nn.relu(m_t_v[None, :, :] - m_t_q[:, None, :]), W_mt, b_mt)
    r_t_s_pos = _linear(jax.nn.relu(m_t_s_v[None, :, :] - m_t_s_q_pos[:, None, :]), W_mts, b_mts)
    r_t_s_neg = _linear(jax.nn.relu(m_t_s_v[None, :, None, :] - m_t_s_q_neg), W_mts, b_mts)
    h_t = _l2norm(_linear(r_t, W_ht, b_ht), 2)
    h_t_s_pos = _l2norm(_linear(r_t_s_pos, W_hts, b_hts), 2)
    h_t_s_neg = _l2norm(_linear(r_t_s_neg, W_hts, b_hts), 3)
    h_t_s = jnp.concatenate([h_t_s_pos[:, :, None, :], h_t_s_neg], axis=2).reshape(bs, bs, K + 1, -1)
    out = jnp.exp(jnp.sum(h_t[:, :, None, :] * h_t_s, axis=3, keepdims=True) / T) / jnp.exp(1.0 / T)
    return out.reshape(bs * bs, -1, 1)

def reference(s, t, y, idx, memory_s, W_embed_s, b_embed_s, W_embed_t, b_embed_t, W_mtv, b_mtv, W_mtq, b_mtq, W_mtsv, b_mtsv, W_mtsq, b_mtsq, W_mt, b_mt, W_mts, b_mts, W_ht, b_ht, W_hts, b_hts):
    out = _forward(s, t, idx, memory_s, W_embed_s, b_embed_s, W_embed_t, b_embed_t, W_mtv, b_mtv, W_mtq, b_mtq, W_mtsv, b_mtsv, W_mtsq, b_mtsq, W_mt, b_mt, W_mts, b_mts, W_ht, b_ht, W_hts, b_hts)
    # faithful no-grad memory-bank update (torch: index_copy_ on buffer); computed as a
    # functional scatter-overwrite. The torch module only returns `out`, so we do too.
    momentum = 0.5
    se = jax.lax.stop_gradient(_linear(s, W_embed_s, b_embed_s))
    ab_pos = jnp.take(memory_s, y, axis=0) * momentum + se * (1.0 - momentum)
    ab_norm = jnp.power(jnp.sum(jnp.power(ab_pos, 2), axis=1, keepdims=True), 0.5)
    updated_s = ab_pos / ab_norm
    _ = memory_s.at[y].set(updated_s)  # scatter-overwrite side effect (discarded, matches torch return)
    return out

if __name__ == "__main__":
    import jax
    _d = setup_inputs()
    print(jax.jit(kernel)(*tuple(_d.values())))

</pallas_src>

<mosaic_0001>
#map = affine_map<(d0, d1) -> (0, 0)>
#map1 = affine_map<(d0, d1) -> (0, 0, 0)>
module attributes {stable_mosaic.version = 14 : i64} {
  func.func @k(%arg0: i32, %arg1: i32, %arg2: memref<100000x128xf32, #tpu.memory_space<hbm>>, %arg3: memref<32x8x128xi32, #tpu.memory_space<hbm>>, %arg4: memref<32768x128xf32, #tpu.memory_space<hbm>>, %arg5: memref<8x128xi32, #tpu.memory_space<vmem>>, %arg6: memref<4x128x128xf32, #tpu.memory_space<vmem>>, %arg7: memref<!tpu.dma_semaphore, #tpu.memory_space<semaphore_mem>>, %arg8: memref<!tpu.dma_semaphore, #tpu.memory_space<semaphore_mem>>, %arg9: memref<!tpu.dma_semaphore, #tpu.memory_space<semaphore_mem>>, %arg10: memref<!tpu.dma_semaphore, #tpu.memory_space<semaphore_mem>>, %arg11: memref<!tpu.dma_semaphore, #tpu.memory_space<semaphore_mem>>, %arg12: memref<!tpu.dma_semaphore, #tpu.memory_space<semaphore_mem>>, %arg13: memref<!tpu.dma_semaphore, #tpu.memory_space<semaphore_mem>>, %arg14: memref<!tpu.dma_semaphore, #tpu.memory_space<semaphore_mem>>) attributes {dimension_semantics = [#tpu.dimension_semantics<core_parallel>, #tpu.dimension_semantics<subcore_parallel>], iteration_bounds = array<i64: 2, 16>, scalar_prefetch = 0 : i64, scratch_operands = 10 : i64, tpu.core_type = #tpu.core_type<sc_vector_subcore>, window_params = [{transform_indices = #map}, {transform_indices = #map1}, {transform_indices = #map}]} {
    %mul3A = arith.constant 2 : i32
    %mul3A_0 = arith.muli %arg1, %mul3A : i32
    %add3A = arith.addi %mul3A_0, %arg0 : i32
    "tpu.region"() ({
      %run_scoped3A = tpu.sem_alloc : memref<!tpu.dma_semaphore, #tpu.memory_space<semaphore_mem>>
      %dma_start3A_431 = arith.constant 0 : i32
      %dma_start3A_432 = arith.constant 0 : i32
      %dma_start3A_433 = tpu.memref_slice %arg3[%add3A, %dma_start3A_431, %dma_start3A_432] : memref<32x8x128xi32, #tpu.memory_space<hbm>> -> memref<1x8x128xi32, #tpu.memory_space<hbm>>
      %dma_start3A_434 = tpu.memref_squeeze %dma_start3A_433 : memref<1x8x128xi32, #tpu.memory_space<hbm>> -> memref<8x128xi32, #tpu.memory_space<hbm>>
      %dma_start3A_435 = arith.constant 0 : i32
      %dma_start3A_436 = arith.constant 0 : i32
      %dma_start3A_437 = tpu.memref_slice %arg3[%add3A, %dma_start3A_435, %dma_start3A_436] : memref<32x8x128xi32, #tpu.memory_space<hbm>> -> memref<1x8x128xi32, #tpu.memory_space<hbm>>
      %dma_start3A_438 = tpu.memref_squeeze %dma_start3A_437 : memref<1x8x128xi32, #tpu.memory_space<hbm>> -> memref<8x128xi32, #tpu.memory_space<hbm>>
      tpu.enqueue_dma source(%dma_start3A_438 : memref<8x128xi32, #tpu.memory_space<hbm>>) target(%arg5 : memref<8x128xi32, #tpu.memory_space<vmem>>) target_semaphore(%run_scoped3A : memref<!tpu.dma_semaphore, #tpu.memory_space<semaphore_mem>>)
      %dma_wait3A_439 = arith.constant 0 : i32
      %dma_wait3A_440 = arith.constant 0 : i32
      %dma_wait3A_441 = tpu.memref_slice %arg3[%add3A, %dma_wait3A_439, %dma_wait3A_440] : memref<32x8x128xi32, #tpu.memory_space<hbm>> -> memref<1x8x128xi32, #tpu.memory_space<hbm>>
      %dma_wait3A_442 = tpu.memref_squeeze %dma_wait3A_441 : memref<1x8x128xi32, #tpu.memory_space<hbm>> -> memref<8x128xi32, #tpu.memory_space<hbm>>
      %dma_wait3A_443 = arith.constant 0 : i32
      %dma_wait3A_444 = arith.constant 0 : i32
      %dma_wait3A_445 = tpu.memref_slice %arg3[%add3A, %dma_wait3A_443, %dma_wait3A_444] : memref<32x8x128xi32, #tpu.memory_space<hbm>> -> memref<1x8x128xi32, #tpu.memory_space<hbm>>
      %dma_wait3A_446 = tpu.memref_squeeze %dma_wait3A_445 : memref<1x8x128xi32, #tpu.memory_space<hbm>> -> memref<8x128xi32, #tpu.memory_space<hbm>>
      tpu.wait_dma2 semaphore(%run_scoped3A : memref<!tpu.dma_semaphore, #tpu.memory_space<semaphore_mem>>) src(%dma_wait3A_446 : memref<8x128xi32, #tpu.memory_space<hbm>>) dst(%arg5 : memref<8x128xi32, #tpu.memory_space<vmem>>)
      tpu.yield
    }) : () -> ()
    %dma_start3A = arith.constant 0 : i32
    %dma_start3A_1 = arith.constant 0 : i32
    %dma_start3A_2 = arith.constant 0 : i32
    %dma_start3A_3 = arith.constant 0 : i32
    %dma_start3A_4 = tpu.memref_slice %arg6[%dma_start3A_1, %dma_start3A_2, %dma_start3A_3] : memref<4x128x128xf32, #tpu.memory_space<vmem>> -> memref<1x128x128xf32, #tpu.memory_space<vmem>>
    %dma_start3A_5 = tpu.memref_squeeze %dma_start3A_4 : memref<1x128x128xf32, #tpu.memory_space<vmem>> -> memref<128x128xf32, #tpu.memory_space<vmem>>
    %dma_start3A_6 = arith.constant 0 : i32
    %dma_start3A_7 = tpu.memref_slice %arg5[%dma_start3A, %dma_start3A_6] : memref<8x128xi32, #tpu.memory_space<vmem>> -> memref<1x128xi32, #tpu.memory_space<vmem>>
    %dma_start3A_8 = tpu.memref_squeeze %dma_start3A_7 : memref<1x128xi32, #tpu.memory_space<vmem>> -> memref<128xi32, #tpu.memory_space<vmem>>
    %dma_start3A_9 = arith.constant 0 : i32
    %dma_start3A_10 = arith.constant 0 : i32
    %dma_start3A_11 = tpu.memref_slice %arg2[%dma_start3A_9, %dma_start3A_10] : memref<100000x128xf32, #tpu.memory_space<hbm>> -> memref<100000x128xf32, #tpu.memory_space<hbm>>
    tpu.enqueue_indirect_dma source(%dma_start3A_11 : memref<100000x128xf32, #tpu.memory_space<hbm>>) target(%dma_start3A_5 : memref<128x128xf32, #tpu.memory_space<vmem>>) offsets(%dma_start3A_8 : memref<128xi32, #tpu.memory_space<vmem>>) semaphore(%arg7 : memref<!tpu.dma_semaphore, #tpu.memory_space<semaphore_mem>>)
    %dma_start3A_12 = arith.constant 1 : i32
    %dma_start3A_13 = arith.constant 1 : i32
    %dma_start3A_14 = arith.constant 0 : i32
    %dma_start3A_15 = arith.constant 0 : i32
    %dma_start3A_16 = tpu.memref_slice %arg6[%dma_start3A_13, %dma_start3A_14, %dma_start3A_15] : memref<4x128x128xf32, #tpu.memory_space<vmem>> -> memref<1x128x128xf32, #tpu.memory_space<vmem>>
    %dma_start3A_17 = tpu.memref_squeeze %dma_start3A_16 : memref<1x128x128xf32, #tpu.memory_space<vmem>> -> memref<128x128xf32, #tpu.memory_space<vmem>>
    %dma_start3A_18 = arith.constant 0 : i32
    %dma_start3A_19 = tpu.memref_slice %arg5[%dma_start3A_12, %dma_start3A_18] : memref<8x128xi32, #tpu.memory_space<vmem>> -> memref<1x128xi32, #tpu.memory_space<vmem>>
    %dma_start3A_20 = tpu.memref_squeeze %dma_start3A_19 : memref<1x128xi32, #tpu.memory_space<vmem>> -> memref<128xi32, #tpu.memory_space<vmem>>
    %dma_start3A_21 = arith.constant 0 : i32
    %dma_start3A_22 = arith.constant 0 : i32
    %dma_start3A_23 = tpu.memref_slice %arg2[%dma_start3A_21, %dma_start3A_22] : memref<100000x128xf32, #tpu.memory_space<hbm>> -> memref<100000x128xf32, #tpu.memory_space<hbm>>
    tpu.enqueue_indirect_dma source(%dma_start3A_23 : memref<100000x128xf32, #tpu.memory_space<hbm>>) target(%dma_start3A_17 : memref<128x128xf32, #tpu.memory_space<vmem>>) offsets(%dma_start3A_20 : memref<128xi32, #tpu.memory_space<vmem>>) semaphore(%arg8 : memref<!tpu.dma_semaphore, #tpu.memory_space<semaphore_mem>>)
    %dma_start3A_24 = arith.constant 2 : i32
    %dma_start3A_25 = arith.constant 2 : i32
    %dma_start3A_26 = arith.constant 0 : i32
    %dma_start3A_27 = arith.constant 0 : i32
    %dma_start3A_28 = tpu.memref_slice %arg6[%dma_start3A_25, %dma_start3A_26, %dma_start3A_27] : memref<4x128x128xf32, #tpu.memory_space<vmem>> -> memref<1x128x128xf32, #tpu.memory_space<vmem>>
    %dma_start3A_29 = tpu.memref_squeeze %dma_start3A_28 : memref<1x128x128xf32, #tpu.memory_space<vmem>> -> memref<128x128xf32, #tpu.memory_space<vmem>>
    %dma_start3A_30 = arith.constant 0 : i32
    %dma_start3A_31 = tpu.memref_slice %arg5[%dma_start3A_24, %dma_start3A_30] : memref<8x128xi32, #tpu.memory_space<vmem>> -> memref<1x128xi32, #tpu.memory_space<vmem>>
    %dma_start3A_32 = tpu.memref_squeeze %dma_start3A_31 : memref<1x128xi32, #tpu.memory_space<vmem>> -> memref<128xi32, #tpu.memory_space<vmem>>
    %dma_start3A_33 = arith.constant 0 : i32
    %dma_start3A_34 = arith.constant 0 : i32
    %dma_start3A_35 = tpu.memref_slice %arg2[%dma_start3A_33, %dma_start3A_34] : memref<100000x128xf32, #tpu.memory_space<hbm>> -> memref<100000x128xf32, #tpu.memory_space<hbm>>
    tpu.enqueue_indirect_dma source(%dma_start3A_35 : memref<100000x128xf32, #tpu.memory_space<hbm>>) target(%dma_start3A_29 : memref<128x128xf32, #tpu.memory_space<vmem>>) offsets(%dma_start3A_32 : memref<128xi32, #tpu.memory_space<vmem>>) semaphore(%arg9 : memref<!tpu.dma_semaphore, #tpu.memory_space<semaphore_mem>>)
    %dma_wait3A = arith.constant 0 : i32
    %dma_wait3A_36 = arith.constant 0 : i32
    %dma_wait3A_37 = arith.constant 0 : i32
    %dma_wait3A_38 = arith.constant 0 : i32
    %dma_wait3A_39 = tpu.memref_slice %arg6[%dma_wait3A_36, %dma_wait3A_37, %dma_wait3A_38] : memref<4x128x128xf32, #tpu.memory_space<vmem>> -> memref<1x128x128xf32, #tpu.memory_space<vmem>>
    %dma_wait3A_40 = tpu.memref_squeeze %dma_wait3A_39 : memref<1x128x128xf32, #tpu.memory_space<vmem>> -> memref<128x128xf32, #tpu.memory_space<vmem>>
    %dma_wait3A_41 = arith.constant 0 : i32
    %dma_wait3A_42 = tpu.memref_slice %arg5[%dma_wait3A, %dma_wait3A_41] : memref<8x128xi32, #tpu.memory_space<vmem>> -> memref<1x128xi32, #tpu.memory_space<vmem>>
    %dma_wait3A_43 = tpu.memref_squeeze %dma_wait3A_42 : memref<1x128xi32, #tpu.memory_space<vmem>> -> memref<128xi32, #tpu.memory_space<vmem>>
    %dma_wait3A_44 = arith.constant 0 : i32
    %dma_wait3A_45 = arith.constant 0 : i32
    %dma_wait3A_46 = tpu.memref_slice %arg2[%dma_wait3A_44, %dma_wait3A_45] : memref<100000x128xf32, #tpu.memory_space<hbm>> -> memref<100000x128xf32, #tpu.memory_space<hbm>>
    tpu.wait_indirect_dma semaphore(%arg7 : memref<!tpu.dma_semaphore, #tpu.memory_space<semaphore_mem>>) src(%dma_wait3A_46 : memref<100000x128xf32, #tpu.memory_space<hbm>>) dst(%dma_wait3A_40 : memref<128x128xf32, #tpu.memory_space<vmem>>)
    %mul3A_47 = arith.constant 1024 : i32
    %mul3A_48 = arith.muli %add3A, %mul3A_47 : i32
    %add3A_49 = arith.constant 0 : i32
    %add3A_50 = arith.addi %mul3A_48, %add3A_49 : i32
    %dma_start3A_51 = arith.constant 0 : i32
    %dma_start3A_52 = arith.constant 0 : i32
    %dma_start3A_53 = arith.constant 0 : i32
    %dma_start3A_54 = tpu.memref_slice %arg6[%dma_start3A_51, %dma_start3A_52, %dma_start3A_53] : memref<4x128x128xf32, #tpu.memory_space<vmem>> -> memref<1x128x128xf32, #tpu.memory_space<vmem>>
    %dma_start3A_55 = tpu.memref_squeeze %dma_start3A_54 : memref<1x128x128xf32, #tpu.memory_space<vmem>> -> memref<128x128xf32, #tpu.memory_space<vmem>>
    %dma_start3A_56 = arith.constant 0 : i32
    %dma_start3A_57 = tpu.memref_slice %arg4[%add3A_50, %dma_start3A_56] : memref<32768x128xf32, #tpu.memory_space<hbm>> -> memref<128x128xf32, #tpu.memory_space<hbm>>
    %dma_start3A_58 = arith.constant 0 : i32
    %dma_start3A_59 = tpu.memref_slice %arg4[%add3A_50, %dma_start3A_58] : memref<32768x128xf32, #tpu.memory_space<hbm>> -> memref<128x128xf32, #tpu.memory_space<hbm>>
    %dma_start3A_60 = arith.constant 0 : i32
    %dma_start3A_61 = arith.constant 0 : i32
    %dma_start3A_62 = tpu.memref_slice %arg6[%dma_start3A_51, %dma_start3A_60, %dma_start3A_61] : memref<4x128x128xf32, #tpu.memory_space<vmem>> -> memref<1x128x128xf32, #tpu.memory_space<vmem>>
    %dma_start3A_63 = tpu.memref_squeeze %dma_start3A_62 : memref<1x128x128xf32, #tpu.memory_space<vmem>> -> memref<128x128xf32, #tpu.memory_space<vmem>>
    tpu.enqueue_dma source(%dma_start3A_63 : memref<128x128xf32, #tpu.memory_space<vmem>>) target(%dma_start3A_59 : memref<128x128xf32, #tpu.memory_space<hbm>>) target_semaphore(%arg11 : memref<!tpu.dma_semaphore, #tpu.memory_space<semaphore_mem>>)
    %dma_start3A_64 = arith.constant 3 : i32
    %dma_start3A_65 = arith.constant 3 : i32
    %dma_start3A_66 = arith.constant 0 : i32
    %dma_start3A_67 = arith.constant 0 : i32
    %dma_start3A_68 = tpu.memref_slice %arg6[%dma_start3A_65, %dma_start3A_66, %dma_start3A_67] : memref<4x128x128xf32, #tpu.memory_space<vmem>> -> memref<1x128x128xf32, #tpu.memory_space<vmem>>
    %dma_start3A_69 = tpu.memref_squeeze %dma_start3A_68 : memref<1x128x128xf32, #tpu.memory_space<vmem>> -> memref<128x128xf32, #tpu.memory_space<vmem>>
    %dma_start3A_70 = arith.constant 0 : i32
    %dma_start3A_71 = tpu.memref_slice %arg5[%dma_start3A_64, %dma_start3A_70] : memref<8x128xi32, #tpu.memory_space<vmem>> -> memref<1x128xi32, #tpu.memory_space<vmem>>
    %dma_start3A_72 = tpu.memref_squeeze %dma_start3A_71 : memref<1x128xi32, #tpu.memory_space<vmem>> -> memref<128xi32, #tpu.memory_space<vmem>>
    %dma_start3A_73 = arith.constant 0 : i32
    %dma_start3A_74 = arith.constant 0 : i32
    %dma_start3A_75 = tpu.memref_slice %arg2[%dma_start3A_73, %dma_start3A_74] : memref<100000x128xf32, #tpu.memory_space<hbm>> -> memref<100000x128xf32, #tpu.memory_space<hbm>>
    tpu.enqueue_indirect_dma source(%dma_start3A_75 : memref<100000x128xf32, #tpu.memory_space<hbm>>) target(%dma_start3A_69 : memref<128x128xf32, #tpu.memory_space<vmem>>) offsets(%dma_start3A_72 : memref<128xi32, #tpu.memory_space<vmem>>) semaphore(%arg10 : memref<!tpu.dma_semaphore, #tpu.memory_space<semaphore_mem>>)
    %dma_wait3A_76 = arith.constant 1 : i32
    %dma_wait3A_77 = arith.constant 1 : i32
    %dma_wait3A_78 = arith.constant 0 : i32
    %dma_wait3A_79 = arith.constant 0 : i32
    %dma_wait3A_80 = tpu.memref_slice %arg6[%dma_wait3A_77, %dma_wait3A_78, %dma_wait3A_79] : memref<4x128x128xf32, #tpu.memory_space<vmem>> -> memref<1x128x128xf32, #tpu.memory_space<vmem>>
    %dma_wait3A_81 = tpu.memref_squeeze %dma_wait3A_80 : memref<1x128x128xf32, #tpu.memory_space<vmem>> -> memref<128x128xf32, #tpu.memory_space<vmem>>
    %dma_wait3A_82 = arith.constant 0 : i32
    %dma_wait3A_83 = tpu.memref_slice %arg5[%dma_wait3A_76, %dma_wait3A_82] : memref<8x128xi32, #tpu.memory_space<vmem>> -> memref<1x128xi32, #tpu.memory_space<vmem>>
    %dma_wait3A_84 = tpu.memref_squeeze %dma_wait3A_83 : memref<1x128xi32, #tpu.memory_space<vmem>> -> memref<128xi32, #tpu.memory_space<vmem>>
    %dma_wait3A_85 = arith.constant 0 : i32
    %dma_wait3A_86 = arith.constant 0 : i32
    %dma_wait3A_87 = tpu.memref_slice %arg2[%dma_wait3A_85, %dma_wait3A_86] : memref<100000x128xf32, #tpu.memory_space<hbm>> -> memref<100000x128xf32, #tpu.memory_space<hbm>>
    tpu.wait_indirect_dma semaphore(%arg8 : memref<!tpu.dma_semaphore, #tpu.memory_space<semaphore_mem>>) src(%dma_wait3A_87 : memref<100000x128xf32, #tpu.memory_space<hbm>>) dst(%dma_wait3A_81 : memref<128x128xf32, #tpu.memory_space<vmem>>)
    %mul3A_88 = arith.constant 1024 : i32
    %mul3A_89 = arith.muli %add3A, %mul3A_88 : i32
    %add3A_90 = arith.constant 128 : i32
    %add3A_91 = arith.addi %mul3A_89, %add3A_90 : i32
    %dma_start3A_92 = arith.constant 1 : i32
    %dma_start3A_93 = arith.constant 0 : i32
    %dma_start3A_94 = arith.constant 0 : i32
    %dma_start3A_95 = tpu.memref_slice %arg6[%dma_start3A_92, %dma_start3A_93, %dma_start3A_94] : memref<4x128x128xf32, #tpu.memory_space<vmem>> -> memref<1x128x128xf32, #tpu.memory_space<vmem>>
    %dma_start3A_96 = tpu.memref_squeeze %dma_start3A_95 : memref<1x128x128xf32, #tpu.memory_space<vmem>> -> memref<128x128xf32, #tpu.memory_space<vmem>>
    %dma_start3A_97 = arith.constant 0 : i32
    %dma_start3A_98 = tpu.memref_slice %arg4[%add3A_91, %dma_start3A_97] : memref<32768x128xf32, #tpu.memory_space<hbm>> -> memref<128x128xf32, #tpu.memory_space<hbm>>
    %dma_start3A_99 = arith.constant 0 : i32
    %dma_start3A_100 = tpu.memref_slice %arg4[%add3A_91, %dma_start3A_99] : memref<32768x128xf32, #tpu.memory_space<hbm>> -> memref<128x128xf32, #tpu.memory_space<hbm>>
    %dma_start3A_101 = arith.constant 0 : i32
    %dma_start3A_102 = arith.constant 0 : i32
    %dma_start3A_103 = tpu.memref_slice %arg6[%dma_start3A_92, %dma_start3A_101, %dma_start3A_102] : memref<4x128x128xf32, #tpu.memory_space<vmem>> -> memref<1x128x128xf32, #tpu.memory_space<vmem>>
    %dma_start3A_104 = tpu.memref_squeeze %dma_start3A_103 : memref<1x128x128xf32, #tpu.memory_space<vmem>> -> memref<128x128xf32, #tpu.memory_space<vmem>>
    tpu.enqueue_dma source(%dma_start3A_104 : memref<128x128xf32, #tpu.memory_space<vmem>>) target(%dma_start3A_100 : memref<128x128xf32, #tpu.memory_space<hbm>>) target_semaphore(%arg12 : memref<!tpu.dma_semaphore, #tpu.memory_space<semaphore_mem>>)
    %dma_wait3A_105 = arith.constant 0 : i32
    %dma_wait3A_106 = arith.constant 0 : i32
    %dma_wait3A_107 = arith.constant 0 : i32
    %dma_wait3A_108 = tpu.memref_slice %arg6[%dma_wait3A_105, %dma_wait3A_106, %dma_wait3A_107] : memref<4x128x128xf32, #tpu.memory_space<vmem>> -> memref<1x128x128xf32, #tpu.memory_space<vmem>>
    %dma_wait3A_109 = tpu.memref_squeeze %dma_wait3A_108 : memref<1x128x128xf32, #tpu.memory_space<vmem>> -> memref<128x128xf32, #tpu.memory_space<vmem>>
    %dma_wait3A_110 = arith.constant 0 : i32
    %dma_wait3A_111 = tpu.memref_slice %arg4[%add3A_50, %dma_wait3A_110] : memref<32768x128xf32, #tpu.memory_space<hbm>> -> memref<128x128xf32, #tpu.memory_space<hbm>>
    %dma_wait3A_112 = arith.constant 0 : i32
    %dma_wait3A_113 = tpu.memref_slice %arg4[%add3A_50, %dma_wait3A_112] : memref<32768x128xf32, #tpu.memory_space<hbm>> -> memref<128x128xf32, #tpu.memory_space<hbm>>
    %dma_wait3A_114 = arith.constant 0 : i32
    %dma_wait3A_115 = arith.constant 0 : i32
    %dma_wait3A_116 = tpu.memref_slice %arg6[%dma_wait3A_105, %dma_wait3A_114, %dma_wait3A_115] : memref<4x128x128xf32, #tpu.memory_space<vmem>> -> memref<1x128x128xf32, #tpu.memory_space<vmem>>
    %dma_wait3A_117 = tpu.memref_squeeze %dma_wait3A_116 : memref<1x128x128xf32, #tpu.memory_space<vmem>> -> memref<128x128xf32, #tpu.memory_space<vmem>>
    tpu.wait_dma2 semaphore(%arg11 : memref<!tpu.dma_semaphore, #tpu.memory_space<semaphore_mem>>) src(%dma_wait3A_117 : memref<128x128xf32, #tpu.memory_space<vmem>>) dst(%dma_wait3A_113 : memref<128x128xf32, #tpu.memory_space<hbm>>)
    %dma_start3A_118 = arith.constant 4 : i32
    %dma_start3A_119 = arith.constant 0 : i32
    %dma_start3A_120 = arith.constant 0 : i32
    %dma_start3A_121 = arith.constant 0 : i32
    %dma_start3A_122 = tpu.memref_slice %arg6[%dma_start3A_119, %dma_start3A_120, %dma_start3A_121] : memref<4x128x128xf32, #tpu.memory_space<vmem>> -> memref<1x128x128xf32, #tpu.memory_space<vmem>>
    %dma_start3A_123 = tpu.memref_squeeze %dma_start3A_122 : memref<1x128x128xf32, #tpu.memory_space<vmem>> -> memref<128x128xf32, #tpu.memory_space<vmem>>
    %dma_start3A_124 = arith.constant 0 : i32
    %dma_start3A_125 = tpu.memref_slice %arg5[%dma_start3A_118, %dma_start3A_124] : memref<8x128xi32, #tpu.memory_space<vmem>> -> memref<1x128xi32, #tpu.memory_space<vmem>>
    %dma_start3A_126 = tpu.memref_squeeze %dma_start3A_125 : memref<1x128xi32, #tpu.memory_space<vmem>> -> memref<128xi32, #tpu.memory_space<vmem>>
    %dma_start3A_127 = arith.constant 0 : i32
    %dma_start3A_128 = arith.constant 0 : i32
    %dma_start3A_129 = tpu.memref_slice %arg2[%dma_start3A_127, %dma_start3A_128] : memref<100000x128xf32, #tpu.memory_space<hbm>> -> memref<100000x128xf32, #tpu.memory_space<hbm>>
    tpu.enqueue_indirect_dma source(%dma_start3A_129 : memref<100000x128xf32, #tpu.memory_space<hbm>>) target(%dma_start3A_123 : memref<128x128xf32, #tpu.memory_space<vmem>>) offsets(%dma_start3A_126 : memref<128xi32, #tpu.memory_space<vmem>>) semaphore(%arg7 : memref<!tpu.dma_semaphore, #tpu.memory_space<semaphore_mem>>)
    %dma_wait3A_130 = arith.constant 2 : i32
    %dma_wait3A_131 = arith.constant 2 : i32
    %dma_wait3A_132 = arith.constant 0 : i32
    %dma_wait3A_133 = arith.constant 0 : i32
    %dma_wait3A_134 = tpu.memref_slice %arg6[%dma_wait3A_131, %dma_wait3A_132, %dma_wait3A_133] : memref<4x128x128xf32, #tpu.memory_space<vmem>> -> memref<1x128x128xf32, #tpu.memory_space<vmem>>
    %dma_wait3A_135 = tpu.memref_squeeze %dma_wait3A_134 : memref<1x128x128xf32, #tpu.memory_space<vmem>> -> memref<128x128xf32, #tpu.memory_space<vmem>>
    %dma_wait3A_136 = arith.constant 0 : i32
    %dma_wait3A_137 = tpu.memref_slice %arg5[%dma_wait3A_130, %dma_wait3A_136] : memref<8x128xi32, #tpu.memory_space<vmem>> -> memref<1x128xi32, #tpu.memory_space<vmem>>
    %dma_wait3A_138 = tpu.memref_squeeze %dma_wait3A_137 : memref<1x128xi32, #tpu.memory_space<vmem>> -> memref<128xi32, #tpu.memory_space<vmem>>
    %dma_wait3A_139 = arith.constant 0 : i32
    %dma_wait3A_140 = arith.constant 0 : i32
    %dma_wait3A_141 = tpu.memref_slice %arg2[%dma_wait3A_139, %dma_wait3A_140] : memref<100000x128xf32, #tpu.memory_space<hbm>> -> memref<100000x128xf32, #tpu.memory_space<hbm>>
    tpu.wait_indirect_dma semaphore(%arg9 : memref<!tpu.dma_semaphore, #tpu.memory_space<semaphore_mem>>) src(%dma_wait3A_141 : memref<100000x128xf32, #tpu.memory_space<hbm>>) dst(%dma_wait3A_135 : memref<128x128xf32, #tpu.memory_space<vmem>>)
    %mul3A_142 = arith.constant 1024 : i32
    %mul3A_143 = arith.muli %add3A, %mul3A_142 : i32
    %add3A_144 = arith.constant 256 : i32
    %add3A_145 = arith.addi %mul3A_143, %add3A_144 : i32
    %dma_start3A_146 = arith.constant 2 : i32
    %dma_start3A_147 = arith.constant 0 : i32
    %dma_start3A_148 = arith.constant 0 : i32
    %dma_start3A_149 = tpu.memref_slice %arg6[%dma_start3A_146, %dma_start3A_147, %dma_start3A_148] : memref<4x128x128xf32, #tpu.memory_space<vmem>> -> memref<1x128x128xf32, #tpu.memory_space<vmem>>
    %dma_start3A_150 = tpu.memref_squeeze %dma_start3A_149 : memref<1x128x128xf32, #tpu.memory_space<vmem>> -> memref<128x128xf32, #tpu.memory_space<vmem>>
    %dma_start3A_151 = arith.constant 0 : i32
    %dma_start3A_152 = tpu.memref_slice %arg4[%add3A_145, %dma_start3A_151] : memref<32768x128xf32, #tpu.memory_space<hbm>> -> memref<128x128xf32, #tpu.memory_space<hbm>>
    %dma_start3A_153 = arith.constant 0 : i32
    %dma_start3A_154 = tpu.memref_slice %arg4[%add3A_145, %dma_start3A_153] : memref<32768x128xf32, #tpu.memory_space<hbm>> -> memref<128x128xf32, #tpu.memory_space<hbm>>
    %dma_start3A_155 = arith.constant 0 : i32
    %dma_start3A_156 = arith.constant 0 : i32
    %dma_start3A_157 = tpu.memref_slice %arg6[%dma_start3A_146, %dma_start3A_155, %dma_start3A_156] : memref<4x128x128xf32, #tpu.memory_space<vmem>> -> memref<1x128x128xf32, #tpu.memory_space<vmem>>
    %dma_start3A_158 = tpu.memref_squeeze %dma_start3A_157 : memref<1x128x128xf32, #tpu.memory_space<vmem>> -> memref<128x128xf32, #tpu.memory_space<vmem>>
    tpu.enqueue_dma source(%dma_start3A_158 : memref<128x128xf32, #tpu.memory_space<vmem>>) target(%dma_start3A_154 : memref<128x128xf32, #tpu.memory_space<hbm>>) target_semaphore(%arg13 : memref<!tpu.dma_semaphore, #tpu.memory_space<semaphore_mem>>)
    %dma_wait3A_159 = arith.constant 1 : i32
    %dma_wait3A_160 = arith.constant 0 : i32
    %dma_wait3A_161 = arith.constant 0 : i32
    %dma_wait3A_162 = tpu.memref_slice %arg6[%dma_wait3A_159, %dma_wait3A_160, %dma_wait3A_161] : memref<4x128x128xf32, #tpu.memory_space<vmem>> -> memref<1x128x128xf32, #tpu.memory_space<vmem>>
    %dma_wait3A_163 = tpu.memref_squeeze %dma_wait3A_162 : memref<1x128x128xf32, #tpu.memory_space<vmem>> -> memref<128x128xf32, #tpu.memory_space<vmem>>
    %dma_wait3A_164 = arith.constant 0 : i32
    %dma_wait3A_165 = tpu.memref_slice %arg4[%add3A_91, %dma_wait3A_164] : memref<32768x128xf32, #tpu.memory_space<hbm>> -> memref<128x128xf32, #tpu.memory_space<hbm>>
    %dma_wait3A_166 = arith.constant 0 : i32
    %dma_wait3A_167 = tpu.memref_slice %arg4[%add3A_91, %dma_wait3A_166] : memref<32768x128xf32, #tpu.memory_space<hbm>> -> memref<128x128xf32, #tpu.memory_space<hbm>>
    %dma_wait3A_168 = arith.constant 0 : i32
    %dma_wait3A_169 = arith.constant 0 : i32
    %dma_wait3A_170 = tpu.memref_slice %arg6[%dma_wait3A_159, %dma_wait3A_168, %dma_wait3A_169] : memref<4x128x128xf32, #tpu.memory_space<vmem>> -> memref<1x128x128xf32, #tpu.memory_space<vmem>>
    %dma_wait3A_171 = tpu.memref_squeeze %dma_wait3A_170 : memref<1x128x128xf32, #tpu.memory_space<vmem>> -> memref<128x128xf32, #tpu.memory_space<vmem>>
    tpu.wait_dma2 semaphore(%arg12 : memref<!tpu.dma_semaphore, #tpu.memory_space<semaphore_mem>>) src(%dma_wait3A_171 : memref<128x128xf32, #tpu.memory_space<vmem>>) dst(%dma_wait3A_167 : memref<128x128xf32, #tpu.memory_space<hbm>>)
    %dma_start3A_172 = arith.constant 5 : i32
    %dma_start3A_173 = arith.constant 1 : i32
    %dma_start3A_174 = arith.constant 0 : i32
    %dma_start3A_175 = arith.constant 0 : i32
    %dma_start3A_176 = tpu.memref_slice %arg6[%dma_start3A_173, %dma_start3A_174, %dma_start3A_175] : memref<4x128x128xf32, #tpu.memory_space<vmem>> -> memref<1x128x128xf32, #tpu.memory_space<vmem>>
    %dma_start3A_177 = tpu.memref_squeeze %dma_start3A_176 : memref<1x128x128xf32, #tpu.memory_space<vmem>> -> memref<128x128xf32, #tpu.memory_space<vmem>>
    %dma_start3A_178 = arith.constant 0 : i32
    %dma_start3A_179 = tpu.memref_slice %arg5[%dma_start3A_172, %dma_start3A_178] : memref<8x128xi32, #tpu.memory_space<vmem>> -> memref<1x128xi32, #tpu.memory_space<vmem>>
    %dma_start3A_180 = tpu.memref_squeeze %dma_start3A_179 : memref<1x128xi32, #tpu.memory_space<vmem>> -> memref<128xi32, #tpu.memory_space<vmem>>
    %dma_start3A_181 = arith.constant 0 : i32
    %dma_start3A_182 = arith.constant 0 : i32
    %dma_start3A_183 = tpu.memref_slice %arg2[%dma_start3A_181, %dma_start3A_182] : memref<100000x128xf32, #tpu.memory_space<hbm>> -> memref<100000x128xf32, #tpu.memory_space<hbm>>
    tpu.enqueue_indirect_dma source(%dma_start3A_183 : memref<100000x128xf32, #tpu.memory_space<hbm>>) target(%dma_start3A_177 : memref<128x128xf32, #tpu.memory_space<vmem>>) offsets(%dma_start3A_180 : memref<128xi32, #tpu.memory_space<vmem>>) semaphore(%arg8 : memref<!tpu.dma_semaphore, #tpu.memory_space<semaphore_mem>>)
    %dma_wait3A_184 = arith.constant 3 : i32
    %dma_wait3A_185 = arith.constant 3 : i32
    %dma_wait3A_186 = arith.constant 0 : i32
    %dma_wait3A_187 = arith.constant 0 : i32
    %dma_wait3A_188 = tpu.memref_slice %arg6[%dma_wait3A_185, %dma_wait3A_186, %dma_wait3A_187] : memref<4x128x128xf32, #tpu.memory_space<vmem>> -> memref<1x128x128xf32, #tpu.memory_space<vmem>>
    %dma_wait3A_189 = tpu.memref_squeeze %dma_wait3A_188 : memref<1x128x128xf32, #tpu.memory_space<vmem>> -> memref<128x128xf32, #tpu.memory_space<vmem>>
    %dma_wait3A_190 = arith.constant 0 : i32
    %dma_wait3A_191 = tpu.memref_slice %arg5[%dma_wait3A_184, %dma_wait3A_190] : memref<8x128xi32, #tpu.memory_space<vmem>> -> memref<1x128xi32, #tpu.memory_space<vmem>>
    %dma_wait3A_192 = tpu.memref_squeeze %dma_wait3A_191 : memref<1x128xi32, #tpu.memory_space<vmem>> -> memref<128xi32, #tpu.memory_space<vmem>>
    %dma_wait3A_193 = arith.constant 0 : i32
    %dma_wait3A_194 = arith.constant 0 : i32
    %dma_wait3A_195 = tpu.memref_slice %arg2[%dma_wait3A_193, %dma_wait3A_194] : memref<100000x128xf32, #tpu.memory_space<hbm>> -> memref<100000x128xf32, #tpu.memory_space<hbm>>
    tpu.wait_indirect_dma semaphore(%arg10 : memref<!tpu.dma_semaphore, #tpu.memory_space<semaphore_mem>>) src(%dma_wait3A_195 : memref<100000x128xf32, #tpu.memory_space<hbm>>) dst(%dma_wait3A_189 : memref<128x128xf32, #tpu.memory_space<vmem>>)
    %mul3A_196 = arith.constant 1024 : i32
    %mul3A_197 = arith.muli %add3A, %mul3A_196 : i32
    %add3A_198 = arith.constant 384 : i32
    %add3A_199 = arith.addi %mul3A_197, %add3A_198 : i32
    %dma_start3A_200 = arith.constant 3 : i32
    %dma_start3A_201 = arith.constant 0 : i32
    %dma_start3A_202 = arith.constant 0 : i32
    %dma_start3A_203 = tpu.memref_slice %arg6[%dma_start3A_200, %dma_start3A_201, %dma_start3A_202] : memref<4x128x128xf32, #tpu.memory_space<vmem>> -> memref<1x128x128xf32, #tpu.memory_space<vmem>>
    %dma_start3A_204 = tpu.memref_squeeze %dma_start3A_203 : memref<1x128x128xf32, #tpu.memory_space<vmem>> -> memref<128x128xf32, #tpu.memory_space<vmem>>
    %dma_start3A_205 = arith.constant 0 : i32
    %dma_start3A_206 = tpu.memref_slice %arg4[%add3A_199, %dma_start3A_205] : memref<32768x128xf32, #tpu.memory_space<hbm>> -> memref<128x128xf32, #tpu.memory_space<hbm>>
    %dma_start3A_207 = arith.constant 0 : i32
    %dma_start3A_208 = tpu.memref_slice %arg4[%add3A_199, %dma_start3A_207] : memref<32768x128xf32, #tpu.memory_space<hbm>> -> memref<128x128xf32, #tpu.memory_space<hbm>>
    %dma_start3A_209 = arith.constant 0 : i32
    %dma_start3A_210 = arith.constant 0 : i32
    %dma_start3A_211 = tpu.memref_slice %arg6[%dma_start3A_200, %dma_start3A_209, %dma_start3A_210] : memref<4x128x128xf32, #tpu.memory_space<vmem>> -> memref<1x128x128xf32, #tpu.memory_space<vmem>>
    %dma_start3A_212 = tpu.memref_squeeze %dma_start3A_211 : memref<1x128x128xf32, #tpu.memory_space<vmem>> -> memref<128x128xf32, #tpu.memory_space<vmem>>
    tpu.enqueue_dma source(%dma_start3A_212 : memref<128x128xf32, #tpu.memory_space<vmem>>) target(%dma_start3A_208 : memref<128x128xf32, #tpu.memory_space<hbm>>) target_semaphore(%arg14 : memref<!tpu.dma_semaphore, #tpu.memory_space<semaphore_mem>>)
    %dma_wait3A_213 = arith.constant 2 : i32
    %dma_wait3A_214 = arith.constant 0 : i32
    %dma_wait3A_215 = arith.constant 0 : i32
    %dma_wait3A_216 = tpu.memref_slice %arg6[%dma_wait3A_213, %dma_wait3A_214, %dma_wait3A_215] : memref<4x128x128xf32, #tpu.memory_space<vmem>> -> memref<1x128x128xf32, #tpu.memory_space<vmem>>
    %dma_wait3A_217 = tpu.memref_squeeze %dma_wait3A_216 : memref<1x128x128xf32, #tpu.memory_space<vmem>> -> memref<128x128xf32, #tpu.memory_space<vmem>>
    %dma_wait3A_218 = arith.constant 0 : i32
    %dma_wait3A_219 = tpu.memref_slice %arg4[%add3A_145, %dma_wait3A_218] : memref<32768x128xf32, #tpu.memory_space<hbm>> -> memref<128x128xf32, #tpu.memory_space<hbm>>
    %dma_wait3A_220 = arith.constant 0 : i32
    %dma_wait3A_221 = tpu.memref_slice %arg4[%add3A_145, %dma_wait3A_220] : memref<32768x128xf32, #tpu.memory_space<hbm>> -> memref<128x128xf32, #tpu.memory_space<hbm>>
    %dma_wait3A_222 = arith.constant 0 : i32
    %dma_wait3A_223 = arith.constant 0 : i32
    %dma_wait3A_224 = tpu.memref_slice %arg6[%dma_wait3A_213, %dma_wait3A_222, %dma_wait3A_223] : memref<4x128x128xf32, #tpu.memory_space<vmem>> -> memref<1x128x128xf32, #tpu.memory_space<vmem>>
    %dma_wait3A_225 = tpu.memref_squeeze %dma_wait3A_224 : memref<1x128x128xf32, #tpu.memory_space<vmem>> -> memref<128x128xf32, #tpu.memory_space<vmem>>
    tpu.wait_dma2 semaphore(%arg13 : memref<!tpu.dma_semaphore, #tpu.memory_space<semaphore_mem>>) src(%dma_wait3A_225 : memref<128x128xf32, #tpu.memory_space<vmem>>) dst(%dma_wait3A_221 : memref<128x128xf32, #tpu.memory_space<hbm>>)
    %dma_start3A_226 = arith.constant 6 : i32
    %dma_start3A_227 = arith.constant 2 : i32
    %dma_start3A_228 = arith.constant 0 : i32
    %dma_start3A_229 = arith.constant 0 : i32
    %dma_start3A_230 = tpu.memref_slice %arg6[%dma_start3A_227, %dma_start3A_228, %dma_start3A_229] : memref<4x128x128xf32, #tpu.memory_space<vmem>> -> memref<1x128x128xf32, #tpu.memory_space<vmem>>
    %dma_start3A_231 = tpu.memref_squeeze %dma_start3A_230 : memref<1x128x128xf32, #tpu.memory_space<vmem>> -> memref<128x128xf32, #tpu.memory_space<vmem>>
    %dma_start3A_232 = arith.constant 0 : i32
    %dma_start3A_233 = tpu.memref_slice %arg5[%dma_start3A_226, %dma_start3A_232] : memref<8x128xi32, #tpu.memory_space<vmem>> -> memref<1x128xi32, #tpu.memory_space<vmem>>
    %dma_start3A_234 = tpu.memref_squeeze %dma_start3A_233 : memref<1x128xi32, #tpu.memory_space<vmem>> -> memref<128xi32, #tpu.memory_space<vmem>>
    %dma_start3A_235 = arith.constant 0 : i32
    %dma_start3A_236 = arith.constant 0 : i32
    %dma_start3A_237 = tpu.memref_slice %arg2[%dma_start3A_235, %dma_start3A_236] : memref<100000x128xf32, #tpu.memory_space<hbm>> -> memref<100000x128xf32, #tpu.memory_space<hbm>>
    tpu.enqueue_indirect_dma source(%dma_start3A_237 : memref<100000x128xf32, #tpu.memory_space<hbm>>) target(%dma_start3A_231 : memref<128x128xf32, #tpu.memory_space<vmem>>) offsets(%dma_start3A_234 : memref<128xi32, #tpu.memory_space<vmem>>) semaphore(%arg9 : memref<!tpu.dma_semaphore, #tpu.memory_space<semaphore_mem>>)
    %dma_wait3A_238 = arith.constant 4 : i32
    %dma_wait3A_239 = arith.constant 0 : i32
    %dma_wait3A_240 = arith.constant 0 : i32
    %dma_wait3A_241 = arith.constant 0 : i32
    %dma_wait3A_242 = tpu.memref_slice %arg6[%dma_wait3A_239, %dma_wait3A_240, %dma_wait3A_241] : memref<4x128x128xf32, #tpu.memory_space<vmem>> -> memref<1x128x128xf32, #tpu.memory_space<vmem>>
    %dma_wait3A_243 = tpu.memref_squeeze %dma_wait3A_242 : memref<1x128x128xf32, #tpu.memory_space<vmem>> -> memref<128x128xf32, #tpu.memory_space<vmem>>
    %dma_wait3A_244 = arith.constant 0 : i32
    %dma_wait3A_245 = tpu.memref_slice %arg5[%dma_wait3A_238, %dma_wait3A_244] : memref<8x128xi32, #tpu.memory_space<vmem>> -> memref<1x128xi32, #tpu.memory_space<vmem>>
    %dma_wait3A_246 = tpu.memref_squeeze %dma_wait3A_245 : memref<1x128xi32, #tpu.memory_space<vmem>> -> memref<128xi32, #tpu.memory_space<vmem>>
    %dma_wait3A_247 = arith.constant 0 : i32
    %dma_wait3A_248 = arith.constant 0 : i32
    %dma_wait3A_249 = tpu.memref_slice %arg2[%dma_wait3A_247, %dma_wait3A_248] : memref<100000x128xf32, #tpu.memory_space<hbm>> -> memref<100000x128xf32, #tpu.memory_space<hbm>>
    tpu.wait_indirect_dma semaphore(%arg7 : memref<!tpu.dma_semaphore, #tpu.memory_space<semaphore_mem>>) src(%dma_wait3A_249 : memref<100000x128xf32, #tpu.memory_space<hbm>>) dst(%dma_wait3A_243 : memref<128x128xf32, #tpu.memory_space<vmem>>)
    %mul3A_250 = arith.constant 1024 : i32
    %mul3A_251 = arith.muli %add3A, %mul3A_250 : i32
    %add3A_252 = arith.constant 512 : i32
    %add3A_253 = arith.addi %mul3A_251, %add3A_252 : i32
    %dma_start3A_254 = arith.constant 0 : i32
    %dma_start3A_255 = arith.constant 0 : i32
    %dma_start3A_256 = arith.constant 0 : i32
    %dma_start3A_257 = tpu.memref_slice %arg6[%dma_start3A_254, %dma_start3A_255, %dma_start3A_256] : memref<4x128x128xf32, #tpu.memory_space<vmem>> -> memref<1x128x128xf32, #tpu.memory_space<vmem>>
    %dma_start3A_258 = tpu.memref_squeeze %dma_start3A_257 : memref<1x128x128xf32, #tpu.memory_space<vmem>> -> memref<128x128xf32, #tpu.memory_space<vmem>>
    %dma_start3A_259 = arith.constant 0 : i32
    %dma_start3A_260 = tpu.memref_slice %arg4[%add3A_253, %dma_start3A_259] : memref<32768x128xf32, #tpu.memory_space<hbm>> -> memref<128x128xf32, #tpu.memory_space<hbm>>
    %dma_start3A_261 = arith.constant 0 : i32
    %dma_start3A_262 = tpu.memref_slice %arg4[%add3A_253, %dma_start3A_261] : memref<32768x128xf32, #tpu.memory_space<hbm>> -> memref<128x128xf32, #tpu.memory_space<hbm>>
    %dma_start3A_263 = arith.constant 0 : i32
    %dma_start3A_264 = arith.constant 0 : i32
    %dma_start3A_265 = tpu.memref_slice %arg6[%dma_start3A_254, %dma_start3A_263, %dma_start3A_264] : memref<4x128x128xf32, #tpu.memory_space<vmem>> -> memref<1x128x128xf32, #tpu.memory_space<vmem>>
    %dma_start3A_266 = tpu.memref_squeeze %dma_start3A_265 : memref<1x128x128xf32, #tpu.memory_space<vmem>> -> memref<128x128xf32, #tpu.memory_space<vmem>>
    tpu.enqueue_dma source(%dma_start3A_266 : memref<128x128xf32, #tpu.memory_space<vmem>>) target(%dma_start3A_262 : memref<128x128xf32, #tpu.memory_space<hbm>>) target_semaphore(%arg11 : memref<!tpu.dma_semaphore, #tpu.memory_space<semaphore_mem>>)
    %dma_wait3A_267 = arith.constant 3 : i32
    %dma_wait3A_268 = arith.constant 0 : i32
    %dma_wait3A_269 = arith.constant 0 : i32
    %dma_wait3A_270 = tpu.memref_slice %arg6[%dma_wait3A_267, %dma_wait3A_268, %dma_wait3A_269] : memref<4x128x128xf32, #tpu.memory_space<vmem>> -> memref<1x128x128xf32, #tpu.memory_space<vmem>>
    %dma_wait3A_271 = tpu.memref_squeeze %dma_wait3A_270 : memref<1x128x128xf32, #tpu.memory_space<vmem>> -> memref<128x128xf32, #tpu.memory_space<vmem>>
    %dma_wait3A_272 = arith.constant 0 : i32
    %dma_wait3A_273 = tpu.memref_slice %arg4[%add3A_199, %dma_wait3A_272] : memref<32768x128xf32, #tpu.memory_space<hbm>> -> memref<128x128xf32, #tpu.memory_space<hbm>>
    %dma_wait3A_274 = arith.constant 0 : i32
    %dma_wait3A_275 = tpu.memref_slice %arg4[%add3A_199, %dma_wait3A_274] : memref<32768x128xf32, #tpu.memory_space<hbm>> -> memref<128x128xf32, #tpu.memory_space<hbm>>
    %dma_wait3A_276 = arith.constant 0 : i32
    %dma_wait3A_277 = arith.constant 0 : i32
    %dma_wait3A_278 = tpu.memref_slice %arg6[%dma_wait3A_267, %dma_wait3A_276, %dma_wait3A_277] : memref<4x128x128xf32, #tpu.memory_space<vmem>> -> memref<1x128x128xf32, #tpu.memory_space<vmem>>
    %dma_wait3A_279 = tpu.memref_squeeze %dma_wait3A_278 : memref<1x128x128xf32, #tpu.memory_space<vmem>> -> memref<128x128xf32, #tpu.memory_space<vmem>>
    tpu.wait_dma2 semaphore(%arg14 : memref<!tpu.dma_semaphore, #tpu.memory_space<semaphore_mem>>) src(%dma_wait3A_279 : memref<128x128xf32, #tpu.memory_space<vmem>>) dst(%dma_wait3A_275 : memref<128x128xf32, #tpu.memory_space<hbm>>)
    %dma_start3A_280 = arith.constant 7 : i32
    %dma_start3A_281 = arith.constant 3 : i32
    %dma_start3A_282 = arith.constant 0 : i32
    %dma_start3A_283 = arith.constant 0 : i32
    %dma_start3A_284 = tpu.memref_slice %arg6[%dma_start3A_281, %dma_start3A_282, %dma_start3A_283] : memref<4x128x128xf32, #tpu.memory_space<vmem>> -> memref<1x128x128xf32, #tpu.memory_space<vmem>>
    %dma_start3A_285 = tpu.memref_squeeze %dma_start3A_284 : memref<1x128x128xf32, #tpu.memory_space<vmem>> -> memref<128x128xf32, #tpu.memory_space<vmem>>
    %dma_start3A_286 = arith.constant 0 : i32
    %dma_start3A_287 = tpu.memref_slice %arg5[%dma_start3A_280, %dma_start3A_286] : memref<8x128xi32, #tpu.memory_space<vmem>> -> memref<1x128xi32, #tpu.memory_space<vmem>>
    %dma_start3A_288 = tpu.memref_squeeze %dma_start3A_287 : memref<1x128xi32, #tpu.memory_space<vmem>> -> memref<128xi32, #tpu.memory_space<vmem>>
    %dma_start3A_289 = arith.constant 0 : i32
    %dma_start3A_290 = arith.constant 0 : i32
    %dma_start3A_291 = tpu.memref_slice %arg2[%dma_start3A_289, %dma_start3A_290] : memref<100000x128xf32, #tpu.memory_space<hbm>> -> memref<100000x128xf32, #tpu.memory_space<hbm>>
    tpu.enqueue_indirect_dma source(%dma_start3A_291 : memref<100000x128xf32, #tpu.memory_space<hbm>>) target(%dma_start3A_285 : memref<128x128xf32, #tpu.memory_space<vmem>>) offsets(%dma_start3A_288 : memref<128xi32, #tpu.memory_space<vmem>>) semaphore(%arg10 : memref<!tpu.dma_semaphore, #tpu.memory_space<semaphore_mem>>)
    %dma_wait3A_292 = arith.constant 5 : i32
    %dma_wait3A_293 = arith.constant 1 : i32
    %dma_wait3A_294 = arith.constant 0 : i32
    %dma_wait3A_295 = arith.constant 0 : i32
    %dma_wait3A_296 = tpu.memref_slice %arg6[%dma_wait3A_293, %dma_wait3A_294, %dma_wait3A_295] : memref<4x128x128xf32, #tpu.memory_space<vmem>> -> memref<1x128x128xf32, #tpu.memory_space<vmem>>
    %dma_wait3A_297 = tpu.memref_squeeze %dma_wait3A_296 : memref<1x128x128xf32, #tpu.memory_space<vmem>> -> memref<128x128xf32, #tpu.memory_space<vmem>>
    %dma_wait3A_298 = arith.constant 0 : i32
    %dma_wait3A_299 = tpu.memref_slice %arg5[%dma_wait3A_292, %dma_wait3A_298] : memref<8x128xi32, #tpu.memory_space<vmem>> -> memref<1x128xi32, #tpu.memory_space<vmem>>
    %dma_wait3A_300 = tpu.memref_squeeze %dma_wait3A_299 : memref<1x128xi32, #tpu.memory_space<vmem>> -> memref<128xi32, #tpu.memory_space<vmem>>
    %dma_wait3A_301 = arith.constant 0 : i32
    %dma_wait3A_302 = arith.constant 0 : i32
    %dma_wait3A_303 = tpu.memref_slice %arg2[%dma_wait3A_301, %dma_wait3A_302] : memref<100000x128xf32, #tpu.memory_space<hbm>> -> memref<100000x128xf32, #tpu.memory_space<hbm>>
    tpu.wait_indirect_dma semaphore(%arg8 : memref<!tpu.dma_semaphore, #tpu.memory_space<semaphore_mem>>) src(%dma_wait3A_303 : memref<100000x128xf32, #tpu.memory_space<hbm>>) dst(%dma_wait3A_297 : memref<128x128xf32, #tpu.memory_space<vmem>>)
    %mul3A_304 = arith.constant 1024 : i32
    %mul3A_305 = arith.muli %add3A, %mul3A_304 : i32
    %add3A_306 = arith.constant 640 : i32
    %add3A_307 = arith.addi %mul3A_305, %add3A_306 : i32
    %dma_start3A_308 = arith.constant 1 : i32
    %dma_start3A_309 = arith.constant 0 : i32
    %dma_start3A_310 = arith.constant 0 : i32
    %dma_start3A_311 = tpu.memref_slice %arg6[%dma_start3A_308, %dma_start3A_309, %dma_start3A_310] : memref<4x128x128xf32, #tpu.memory_space<vmem>> -> memref<1x128x128xf32, #tpu.memory_space<vmem>>
    %dma_start3A_312 = tpu.memref_squeeze %dma_start3A_311 : memref<1x128x128xf32, #tpu.memory_space<vmem>> -> memref<128x128xf32, #tpu.memory_space<vmem>>
    %dma_start3A_313 = arith.constant 0 : i32
    %dma_start3A_314 = tpu.memref_slice %arg4[%add3A_307, %dma_start3A_313] : memref<32768x128xf32, #tpu.memory_space<hbm>> -> memref<128x128xf32, #tpu.memory_space<hbm>>
    %dma_start3A_315 = arith.constant 0 : i32
    %dma_start3A_316 = tpu.memref_slice %arg4[%add3A_307, %dma_start3A_315] : memref<32768x128xf32, #tpu.memory_space<hbm>> -> memref<128x128xf32, #tpu.memory_space<hbm>>
    %dma_start3A_317 = arith.constant 0 : i32
    %dma_start3A_318 = arith.constant 0 : i32
    %dma_start3A_319 = tpu.memref_slice %arg6[%dma_start3A_308, %dma_start3A_317, %dma_start3A_318] : memref<4x128x128xf32, #tpu.memory_space<vmem>> -> memref<1x128x128xf32, #tpu.memory_space<vmem>>
    %dma_start3A_320 = tpu.memref_squeeze %dma_start3A_319 : memref<1x128x128xf32, #tpu.memory_space<vmem>> -> memref<128x128xf32, #tpu.memory_space<vmem>>
    tpu.enqueue_dma source(%dma_start3A_320 : memref<128x128xf32, #tpu.memory_space<vmem>>) target(%dma_start3A_316 : memref<128x128xf32, #tpu.memory_space<hbm>>) target_semaphore(%arg12 : memref<!tpu.dma_semaphore, #tpu.memory_space<semaphore_mem>>)
    %dma_wait3A_321 = arith.constant 6 : i32
    %dma_wait3A_322 = arith.constant 2 : i32
    %dma_wait3A_323 = arith.constant 0 : i32
    %dma_wait3A_324 = arith.constant 0 : i32
    %dma_wait3A_325 = tpu.memref_slice %arg6[%dma_wait3A_322, %dma_wait3A_323, %dma_wait3A_324] : memref<4x128x128xf32, #tpu.memory_space<vmem>> -> memref<1x128x128xf32, #tpu.memory_space<vmem>>
    %dma_wait3A_326 = tpu.memref_squeeze %dma_wait3A_325 : memref<1x128x128xf32, #tpu.memory_space<vmem>> -> memref<128x128xf32, #tpu.memory_space<vmem>>
    %dma_wait3A_327 = arith.constant 0 : i32
    %dma_wait3A_328 = tpu.memref_slice %arg5[%dma_wait3A_321, %dma_wait3A_327] : memref<8x128xi32, #tpu.memory_space<vmem>> -> memref<1x128xi32, #tpu.memory_space<vmem>>
    %dma_wait3A_329 = tpu.memref_squeeze %dma_wait3A_328 : memref<1x128xi32, #tpu.memory_space<vmem>> -> memref<128xi32, #tpu.memory_space<vmem>>
    %dma_wait3A_330 = arith.constant 0 : i32
    %dma_wait3A_331 = arith.constant 0 : i32
    %dma_wait3A_332 = tpu.memref_slice %arg2[%dma_wait3A_330, %dma_wait3A_331] : memref<100000x128xf32, #tpu.memory_space<hbm>> -> memref<100000x128xf32, #tpu.memory_space<hbm>>
    tpu.wait_indirect_dma semaphore(%arg9 : memref<!tpu.dma_semaphore, #tpu.memory_space<semaphore_mem>>) src(%dma_wait3A_332 : memref<100000x128xf32, #tpu.memory_space<hbm>>) dst(%dma_wait3A_326 : memref<128x128xf32, #tpu.memory_space<vmem>>)
    %mul3A_333 = arith.constant 1024 : i32
    %mul3A_334 = arith.muli %add3A, %mul3A_333 : i32
    %add3A_335 = arith.constant 768 : i32
    %add3A_336 = arith.addi %mul3A_334, %add3A_335 : i32
    %dma_start3A_337 = arith.constant 2 : i32
    %dma_start3A_338 = arith.constant 0 : i32
    %dma_start3A_339 = arith.constant 0 : i32
    %dma_start3A_340 = tpu.memref_slice %arg6[%dma_start3A_337, %dma_start3A_338, %dma_start3A_339] : memref<4x128x128xf32, #tpu.memory_space<vmem>> -> memref<1x128x128xf32, #tpu.memory_space<vmem>>
    %dma_start3A_341 = tpu.memref_squeeze %dma_start3A_340 : memref<1x128x128xf32, #tpu.memory_space<vmem>> -> memref<128x128xf32, #tpu.memory_space<vmem>>
    %dma_start3A_342 = arith.constant 0 : i32
    %dma_start3A_343 = tpu.memref_slice %arg4[%add3A_336, %dma_start3A_342] : memref<32768x128xf32, #tpu.memory_space<hbm>> -> memref<128x128xf32, #tpu.memory_space<hbm>>
    %dma_start3A_344 = arith.constant 0 : i32
    %dma_start3A_345 = tpu.memref_slice %arg4[%add3A_336, %dma_start3A_344] : memref<32768x128xf32, #tpu.memory_space<hbm>> -> memref<128x128xf32, #tpu.memory_space<hbm>>
    %dma_start3A_346 = arith.constant 0 : i32
    %dma_start3A_347 = arith.constant 0 : i32
    %dma_start3A_348 = tpu.memref_slice %arg6[%dma_start3A_337, %dma_start3A_346, %dma_start3A_347] : memref<4x128x128xf32, #tpu.memory_space<vmem>> -> memref<1x128x128xf32, #tpu.memory_space<vmem>>
    %dma_start3A_349 = tpu.memref_squeeze %dma_start3A_348 : memref<1x128x128xf32, #tpu.memory_space<vmem>> -> memref<128x128xf32, #tpu.memory_space<vmem>>
    tpu.enqueue_dma source(%dma_start3A_349 : memref<128x128xf32, #tpu.memory_space<vmem>>) target(%dma_start3A_345 : memref<128x128xf32, #tpu.memory_space<hbm>>) target_semaphore(%arg13 : memref<!tpu.dma_semaphore, #tpu.memory_space<semaphore_mem>>)
    %dma_wait3A_350 = arith.constant 7 : i32
    %dma_wait3A_351 = arith.constant 3 : i32
    %dma_wait3A_352 = arith.constant 0 : i32
    %dma_wait3A_353 = arith.constant 0 : i32
    %dma_wait3A_354 = tpu.memref_slice %arg6[%dma_wait3A_351, %dma_wait3A_352, %dma_wait3A_353] : memref<4x128x128xf32, #tpu.memory_space<vmem>> -> memref<1x128x128xf32, #tpu.memory_space<vmem>>
    %dma_wait3A_355 = tpu.memref_squeeze %dma_wait3A_354 : memref<1x128x128xf32, #tpu.memory_space<vmem>> -> memref<128x128xf32, #tpu.memory_space<vmem>>
    %dma_wait3A_356 = arith.constant 0 : i32
    %dma_wait3A_357 = tpu.memref_slice %arg5[%dma_wait3A_350, %dma_wait3A_356] : memref<8x128xi32, #tpu.memory_space<vmem>> -> memref<1x128xi32, #tpu.memory_space<vmem>>
    %dma_wait3A_358 = tpu.memref_squeeze %dma_wait3A_357 : memref<1x128xi32, #tpu.memory_space<vmem>> -> memref<128xi32, #tpu.memory_space<vmem>>
    %dma_wait3A_359 = arith.constant 0 : i32
    %dma_wait3A_360 = arith.constant 0 : i32
    %dma_wait3A_361 = tpu.memref_slice %arg2[%dma_wait3A_359, %dma_wait3A_360] : memref<100000x128xf32, #tpu.memory_space<hbm>> -> memref<100000x128xf32, #tpu.memory_space<hbm>>
    tpu.wait_indirect_dma semaphore(%arg10 : memref<!tpu.dma_semaphore, #tpu.memory_space<semaphore_mem>>) src(%dma_wait3A_361 : memref<100000x128xf32, #tpu.memory_space<hbm>>) dst(%dma_wait3A_355 : memref<128x128xf32, #tpu.memory_space<vmem>>)
    %mul3A_362 = arith.constant 1024 : i32
    %mul3A_363 = arith.muli %add3A, %mul3A_362 : i32
    %add3A_364 = arith.constant 896 : i32
    %add3A_365 = arith.addi %mul3A_363, %add3A_364 : i32
    %dma_start3A_366 = arith.constant 3 : i32
    %dma_start3A_367 = arith.constant 0 : i32
    %dma_start3A_368 = arith.constant 0 : i32
    %dma_start3A_369 = tpu.memref_slice %arg6[%dma_start3A_366, %dma_start3A_367, %dma_start3A_368] : memref<4x128x128xf32, #tpu.memory_space<vmem>> -> memref<1x128x128xf32, #tpu.memory_space<vmem>>
    %dma_start3A_370 = tpu.memref_squeeze %dma_start3A_369 : memref<1x128x128xf32, #tpu.memory_space<vmem>> -> memref<128x128xf32, #tpu.memory_space<vmem>>
    %dma_start3A_371 = arith.constant 0 : i32
    %dma_start3A_372 = tpu.memref_slice %arg4[%add3A_365, %dma_start3A_371] : memref<32768x128xf32, #tpu.memory_space<hbm>> -> memref<128x128xf32, #tpu.memory_space<hbm>>
    %dma_start3A_373 = arith.constant 0 : i32
    %dma_start3A_374 = tpu.memref_slice %arg4[%add3A_365, %dma_start3A_373] : memref<32768x128xf32, #tpu.memory_space<hbm>> -> memref<128x128xf32, #tpu.memory_space<hbm>>
    %dma_start3A_375 = arith.constant 0 : i32
    %dma_start3A_376 = arith.constant 0 : i32
    %dma_start3A_377 = tpu.memref_slice %arg6[%dma_start3A_366, %dma_start3A_375, %dma_start3A_376] : memref<4x128x128xf32, #tpu.memory_space<vmem>> -> memref<1x128x128xf32, #tpu.memory_space<vmem>>
    %dma_start3A_378 = tpu.memref_squeeze %dma_start3A_377 : memref<1x128x128xf32, #tpu.memory_space<vmem>> -> memref<128x128xf32, #tpu.memory_space<vmem>>
    tpu.enqueue_dma source(%dma_start3A_378 : memref<128x128xf32, #tpu.memory_space<vmem>>) target(%dma_start3A_374 : memref<128x128xf32, #tpu.memory_space<hbm>>) target_semaphore(%arg14 : memref<!tpu.dma_semaphore, #tpu.memory_space<semaphore_mem>>)
    %dma_wait3A_379 = arith.constant 0 : i32
    %dma_wait3A_380 = arith.constant 0 : i32
    %dma_wait3A_381 = arith.constant 0 : i32
    %dma_wait3A_382 = tpu.memref_slice %arg6[%dma_wait3A_379, %dma_wait3A_380, %dma_wait3A_381] : memref<4x128x128xf32, #tpu.memory_space<vmem>> -> memref<1x128x128xf32, #tpu.memory_space<vmem>>
    %dma_wait3A_383 = tpu.memref_squeeze %dma_wait3A_382 : memref<1x128x128xf32, #tpu.memory_space<vmem>> -> memref<128x128xf32, #tpu.memory_space<vmem>>
    %dma_wait3A_384 = arith.constant 0 : i32
    %dma_wait3A_385 = tpu.memref_slice %arg4[%add3A_253, %dma_wait3A_384] : memref<32768x128xf32, #tpu.memory_space<hbm>> -> memref<128x128xf32, #tpu.memory_space<hbm>>
    %dma_wait3A_386 = arith.constant 0 : i32
    %dma_wait3A_387 = tpu.memref_slice %arg4[%add3A_253, %dma_wait3A_386] : memref<32768x128xf32, #tpu.memory_space<hbm>> -> memref<128x128xf32, #tpu.memory_space<hbm>>
    %dma_wait3A_388 = arith.constant 0 : i32
    %dma_wait3A_389 = arith.constant 0 : i32
    %dma_wait3A_390 = tpu.memref_slice %arg6[%dma_wait3A_379, %dma_wait3A_388, %dma_wait3A_389] : memref<4x128x128xf32, #tpu.memory_space<vmem>> -> memref<1x128x128xf32, #tpu.memory_space<vmem>>
    %dma_wait3A_391 = tpu.memref_squeeze %dma_wait3A_390 : memref<1x128x128xf32, #tpu.memory_space<vmem>> -> memref<128x128xf32, #tpu.memory_space<vmem>>
    tpu.wait_dma2 semaphore(%arg11 : memref<!tpu.dma_semaphore, #tpu.memory_space<semaphore_mem>>) src(%dma_wait3A_391 : memref<128x128xf32, #tpu.memory_space<vmem>>) dst(%dma_wait3A_387 : memref<128x128xf32, #tpu.memory_space<hbm>>)
    %dma_wait3A_392 = arith.constant 1 : i32
    %dma_wait3A_393 = arith.constant 0 : i32
    %dma_wait3A_394 = arith.constant 0 : i32
    %dma_wait3A_395 = tpu.memref_slice %arg6[%dma_wait3A_392, %dma_wait3A_393, %dma_wait3A_394] : memref<4x128x128xf32, #tpu.memory_space<vmem>> -> memref<1x128x128xf32, #tpu.memory_space<vmem>>
    %dma_wait3A_396 = tpu.memref_squeeze %dma_wait3A_395 : memref<1x128x128xf32, #tpu.memory_space<vmem>> -> memref<128x128xf32, #tpu.memory_space<vmem>>
    %dma_wait3A_397 = arith.constant 0 : i32
    %dma_wait3A_398 = tpu.memref_slice %arg4[%add3A_307, %dma_wait3A_397] : memref<32768x128xf32, #tpu.memory_space<hbm>> -> memref<128x128xf32, #tpu.memory_space<hbm>>
    %dma_wait3A_399 = arith.constant 0 : i32
    %dma_wait3A_400 = tpu.memref_slice %arg4[%add3A_307, %dma_wait3A_399] : memref<32768x128xf32, #tpu.memory_space<hbm>> -> memref<128x128xf32, #tpu.memory_space<hbm>>
    %dma_wait3A_401 = arith.constant 0 : i32
    %dma_wait3A_402 = arith.constant 0 : i32
    %dma_wait3A_403 = tpu.memref_slice %arg6[%dma_wait3A_392, %dma_wait3A_401, %dma_wait3A_402] : memref<4x128x128xf32, #tpu.memory_space<vmem>> -> memref<1x128x128xf32, #tpu.memory_space<vmem>>
    %dma_wait3A_404 = tpu.memref_squeeze %dma_wait3A_403 : memref<1x128x128xf32, #tpu.memory_space<vmem>> -> memref<128x128xf32, #tpu.memory_space<vmem>>
    tpu.wait_dma2 semaphore(%arg12 : memref<!tpu.dma_semaphore, #tpu.memory_space<semaphore_mem>>) src(%dma_wait3A_404 : memref<128x128xf32, #tpu.memory_space<vmem>>) dst(%dma_wait3A_400 : memref<128x128xf32, #tpu.memory_space<hbm>>)
    %dma_wait3A_405 = arith.constant 2 : i32
    %dma_wait3A_406 = arith.constant 0 : i32
    %dma_wait3A_407 = arith.constant 0 : i32
    %dma_wait3A_408 = tpu.memref_slice %arg6[%dma_wait3A_405, %dma_wait3A_406, %dma_wait3A_407] : memref<4x128x128xf32, #tpu.memory_space<vmem>> -> memref<1x128x128xf32, #tpu.memory_space<vmem>>
    %dma_wait3A_409 = tpu.memref_squeeze %dma_wait3A_408 : memref<1x128x128xf32, #tpu.memory_space<vmem>> -> memref<128x128xf32, #tpu.memory_space<vmem>>
    %dma_wait3A_410 = arith.constant 0 : i32
    %dma_wait3A_411 = tpu.memref_slice %arg4[%add3A_336, %dma_wait3A_410] : memref<32768x128xf32, #tpu.memory_space<hbm>> -> memref<128x128xf32, #tpu.memory_space<hbm>>
    %dma_wait3A_412 = arith.constant 0 : i32
    %dma_wait3A_413 = tpu.memref_slice %arg4[%add3A_336, %dma_wait3A_412] : memref<32768x128xf32, #tpu.memory_space<hbm>> -> memref<128x128xf32, #tpu.memory_space<hbm>>
    %dma_wait3A_414 = arith.constant 0 : i32
    %dma_wait3A_415 = arith.constant 0 : i32
    %dma_wait3A_416 = tpu.memref_slice %arg6[%dma_wait3A_405, %dma_wait3A_414, %dma_wait3A_415] : memref<4x128x128xf32, #tpu.memory_space<vmem>> -> memref<1x128x128xf32, #tpu.memory_space<vmem>>
    %dma_wait3A_417 = tpu.memref_squeeze %dma_wait3A_416 : memref<1x128x128xf32, #tpu.memory_space<vmem>> -> memref<128x128xf32, #tpu.memory_space<vmem>>
    tpu.wait_dma2 semaphore(%arg13 : memref<!tpu.dma_semaphore, #tpu.memory_space<semaphore_mem>>) src(%dma_wait3A_417 : memref<128x128xf32, #tpu.memory_space<vmem>>) dst(%dma_wait3A_413 : memref<128x128xf32, #tpu.memory_space<hbm>>)
    %dma_wait3A_418 = arith.constant 3 : i32
    %dma_wait3A_419 = arith.constant 0 : i32
    %dma_wait3A_420 = arith.constant 0 : i32
    %dma_wait3A_421 = tpu.memref_slice %arg6[%dma_wait3A_418, %dma_wait3A_419, %dma_wait3A_420] : memref<4x128x128xf32, #tpu.memory_space<vmem>> -> memref<1x128x128xf32, #tpu.memory_space<vmem>>
    %dma_wait3A_422 = tpu.memref_squeeze %dma_wait3A_421 : memref<1x128x128xf32, #tpu.memory_space<vmem>> -> memref<128x128xf32, #tpu.memory_space<vmem>>
    %dma_wait3A_423 = arith.constant 0 : i32
    %dma_wait3A_424 = tpu.memref_slice %arg4[%add3A_365, %dma_wait3A_423] : memref<32768x128xf32, #tpu.memory_space<hbm>> -> memref<128x128xf32, #tpu.memory_space<hbm>>
    %dma_wait3A_425 = arith.constant 0 : i32
    %dma_wait3A_426 = tpu.memref_slice %arg4[%add3A_365, %dma_wait3A_425] : memref<32768x128xf32, #tpu.memory_space<hbm>> -> memref<128x128xf32, #tpu.memory_space<hbm>>
    %dma_wait3A_427 = arith.constant 0 : i32
    %dma_wait3A_428 = arith.constant 0 : i32
    %dma_wait3A_429 = tpu.memref_slice %arg6[%dma_wait3A_418, %dma_wait3A_427, %dma_wait3A_428] : memref<4x128x128xf32, #tpu.memory_space<vmem>> -> memref<1x128x128xf32, #tpu.memory_space<vmem>>
    %dma_wait3A_430 = tpu.memref_squeeze %dma_wait3A_429 : memref<1x128x128xf32, #tpu.memory_space<vmem>> -> memref<128x128xf32, #tpu.memory_space<vmem>>
    tpu.wait_dma2 semaphore(%arg14 : memref<!tpu.dma_semaphore, #tpu.memory_space<semaphore_mem>>) src(%dma_wait3A_430 : memref<128x128xf32, #tpu.memory_space<vmem>>) dst(%dma_wait3A_426 : memref<128x128xf32, #tpu.memory_space<hbm>>)
    return
  }
}

#map = affine_map<(d0, d1) -> (0, 0)>
#map1 = affine_map<(d0, d1) -> (0, 0, 0)>
module attributes {stable_mosaic.version = 14 : i64} {
  func.func @k(%arg0: i32, %arg1: i32, %arg2: memref<100000x128xf32, #tpu.memory_space<hbm>>, %arg3: memref<32x8x128xi32, #tpu.memory_space<hbm>>, %arg4: memref<32768x128xf32, #tpu.memory_space<hbm>>, %arg5: memref<8x128xi32, #tpu.memory_space<vmem>>, %arg6: memref<4x128x128xf32, #tpu.memory_space<vmem>>, %arg7: memref<!tpu.dma_semaphore, #tpu.memory_space<semaphore_mem>>, %arg8: memref<!tpu.dma_semaphore, #tpu.memory_space<semaphore_mem>>, %arg9: memref<!tpu.dma_semaphore, #tpu.memory_space<semaphore_mem>>, %arg10: memref<!tpu.dma_semaphore, #tpu.memory_space<semaphore_mem>>, %arg11: memref<!tpu.dma_semaphore, #tpu.memory_space<semaphore_mem>>, %arg12: memref<!tpu.dma_semaphore, #tpu.memory_space<semaphore_mem>>, %arg13: memref<!tpu.dma_semaphore, #tpu.memory_space<semaphore_mem>>, %arg14: memref<!tpu.dma_semaphore, #tpu.memory_space<semaphore_mem>>) attributes {dimension_semantics = [#tpu.dimension_semantics<core_parallel>, #tpu.dimension_semantics<subcore_parallel>], iteration_bounds = array<i64: 2, 16>, scalar_prefetch = 0 : i64, scratch_operands = 10 : i64, tpu.core_type = #tpu.core_type<sc_vector_subcore>, window_params = [{transform_indices = #map}, {transform_indices = #map1}, {transform_indices = #map}]} {
    %mul3A = arith.constant 2 : i32
    %mul3A_0 = arith.muli %arg1, %mul3A : i32
    %add3A = arith.addi %mul3A_0, %arg0 : i32
    "tpu.region"() ({
      %run_scoped3A = tpu.sem_alloc : memref<!tpu.dma_semaphore, #tpu.memory_space<semaphore_mem>>
      %dma_start3A_431 = arith.constant 0 : i32
      %dma_start3A_432 = arith.constant 0 : i32
      %dma_start3A_433 = tpu.memref_slice %arg3[%add3A, %dma_start3A_431, %dma_start3A_432] : memref<32x8x128xi32, #tpu.memory_space<hbm>> -> memref<1x8x128xi32, #tpu.memory_space<hbm>>
      %dma_start3A_434 = tpu.memref_squeeze %dma_start3A_433 : memref<1x8x128xi32, #tpu.memory_space<hbm>> -> memref<8x128xi32, #tpu.memory_space<hbm>>
      %dma_start3A_435 = arith.constant 0 : i32
      %dma_start3A_436 = arith.constant 0 : i32
      %dma_start3A_437 = tpu.memref_slice %arg3[%add3A, %dma_start3A_435, %dma_start3A_436] : memref<32x8x128xi32, #tpu.memory_space<hbm>> -> memref<1x8x128xi32, #tpu.memory_space<hbm>>
      %dma_start3A_438 = tpu.memref_squeeze %dma_start3A_437 : memref<1x8x128xi32, #tpu.memory_space<hbm>> -> memref<8x128xi32, #tpu.memory_space<hbm>>
      tpu.enqueue_dma source(%dma_start3A_438 : memref<8x128xi32, #tpu.memory_space<hbm>>) target(%arg5 : memref<8x128xi32, #tpu.memory_space<vmem>>) target_semaphore(%run_scoped3A : memref<!tpu.dma_semaphore, #tpu.memory_space<semaphore_mem>>)
      %dma_wait3A_439 = arith.constant 0 : i32
      %dma_wait3A_440 = arith.constant 0 : i32
      %dma_wait3A_441 = tpu.memref_slice %arg3[%add3A, %dma_wait3A_439, %dma_wait3A_440] : memref<32x8x128xi32, #tpu.memory_space<hbm>> -> memref<1x8x128xi32, #tpu.memory_space<hbm>>
      %dma_wait3A_442 = tpu.memref_squeeze %dma_wait3A_441 : memref<1x8x128xi32, #tpu.memory_space<hbm>> -> memref<8x128xi32, #tpu.memory_space<hbm>>
      %dma_wait3A_443 = arith.constant 0 : i32
      %dma_wait3A_444 = arith.constant 0 : i32
      %dma_wait3A_445 = tpu.memref_slice %arg3[%add3A, %dma_wait3A_443, %dma_wait3A_444] : memref<32x8x128xi32, #tpu.memory_space<hbm>> -> memref<1x8x128xi32, #tpu.memory_space<hbm>>
      %dma_wait3A_446 = tpu.memref_squeeze %dma_wait3A_445 : memref<1x8x128xi32, #tpu.memory_space<hbm>> -> memref<8x128xi32, #tpu.memory_space<hbm>>
      tpu.wait_dma2 semaphore(%run_scoped3A : memref<!tpu.dma_semaphore, #tpu.memory_space<semaphore_mem>>) src(%dma_wait3A_446 : memref<8x128xi32, #tpu.memory_space<hbm>>) dst(%arg5 : memref<8x128xi32, #tpu.memory_space<vmem>>)
      tpu.yield
    }) : () -> ()
    %dma_start3A = arith.constant 0 : i32
    %dma_start3A_1 = arith.constant 0 : i32
    %dma_start3A_2 = arith.constant 0 : i32
    %dma_start3A_3 = arith.constant 0 : i32
    %dma_start3A_4 = tpu.memref_slice %arg6[%dma_start3A_1, %dma_start3A_2, %dma_start3A_3] : memref<4x128x128xf32, #tpu.memory_space<vmem>> -> memref<1x128x128xf32, #tpu.memory_space<vmem>>
    %dma_start3A_5 = tpu.memref_squeeze %dma_start3A_4 : memref<1x128x128xf32, #tpu.memory_space<vmem>> -> memref<128x128xf32, #tpu.memory_space<vmem>>
    %dma_start3A_6 = arith.constant 0 : i32
    %dma_start3A_7 = tpu.memref_slice %arg5[%dma_start3A, %dma_start3A_6] : memref<8x128xi32, #tpu.memory_space<vmem>> -> memref<1x128xi32, #tpu.memory_space<vmem>>
    %dma_start3A_8 = tpu.memref_squeeze %dma_start3A_7 : memref<1x128xi32, #tpu.memory_space<vmem>> -> memref<128xi32, #tpu.memory_space<vmem>>
    %dma_start3A_9 = arith.constant 0 : i32
    %dma_start3A_10 = arith.constant 0 : i32
    %dma_start3A_11 = tpu.memref_slice %arg2[%dma_start3A_9, %dma_start3A_10] : memref<100000x128xf32, #tpu.memory_space<hbm>> -> memref<100000x128xf32, #tpu.memory_space<hbm>>
    tpu.enqueue_indirect_dma source(%dma_start3A_11 : memref<100000x128xf32, #tpu.memory_space<hbm>>) target(%dma_start3A_5 : memref<128x128xf32, #tpu.memory_space<vmem>>) offsets(%dma_start3A_8 : memref<128xi32, #tpu.memory_space<vmem>>) semaphore(%arg7 : memref<!tpu.dma_semaphore, #tpu.memory_space<semaphore_mem>>)
    %dma_start3A_12 = arith.constant 1 : i32
    %dma_start3A_13 = arith.constant 1 : i32
    %dma_start3A_14 = arith.constant 0 : i32
    %dma_start3A_15 = arith.constant 0 : i32
    %dma_start3A_16 = tpu.memref_slice %arg6[%dma_start3A_13, %dma_start3A_14, %dma_start3A_15] : memref<4x128x128xf32, #tpu.memory_space<vmem>> -> memref<1x128x128xf32, #tpu.memory_space<vmem>>
    %dma_start3A_17 = tpu.memref_squeeze %dma_start3A_16 : memref<1x128x128xf32, #tpu.memory_space<vmem>> -> memref<128x128xf32, #tpu.memory_space<vmem>>
    %dma_start3A_18 = arith.constant 0 : i32
    %dma_start3A_19 = tpu.memref_slice %arg5[%dma_start3A_12, %dma_start3A_18] : memref<8x128xi32, #tpu.memory_space<vmem>> -> memref<1x128xi32, #tpu.memory_space<vmem>>
    %dma_start3A_20 = tpu.memref_squeeze %dma_start3A_19 : memref<1x128xi32, #tpu.memory_space<vmem>> -> memref<128xi32, #tpu.memory_space<vmem>>
    %dma_start3A_21 = arith.constant 0 : i32
    %dma_start3A_22 = arith.constant 0 : i32
    %dma_start3A_23 = tpu.memref_slice %arg2[%dma_start3A_21, %dma_start3A_22] : memref<100000x128xf32, #tpu.memory_space<hbm>> -> memref<100000x128xf32, #tpu.memory_space<hbm>>
    tpu.enqueue_indirect_dma source(%dma_start3A_23 : memref<100000x128xf32, #tpu.memory_space<hbm>>) target(%dma_start3A_17 : memref<128x128xf32, #tpu.memory_space<vmem>>) offsets(%dma_start3A_20 : memref<128xi32, #tpu.memory_space<vmem>>) semaphore(%arg8 : memref<!tpu.dma_semaphore, #tpu.memory_space<semaphore_mem>>)
    %dma_start3A_24 = arith.constant 2 : i32
    %dma_start3A_25 = arith.constant 2 : i32
    %dma_start3A_26 = arith.constant 0 : i32
    %dma_start3A_27 = arith.constant 0 : i32
    %dma_start3A_28 = tpu.memref_slice %arg6[%dma_start3A_25, %dma_start3A_26, %dma_start3A_27] : memref<4x128x128xf32, #tpu.memory_space<vmem>> -> memref<1x128x128xf32, #tpu.memory_space<vmem>>
    %dma_start3A_29 = tpu.memref_squeeze %dma_start3A_28 : memref<1x128x128xf32, #tpu.memory_space<vmem>> -> memref<128x128xf32, #tpu.memory_space<vmem>>
    %dma_start3A_30 = arith.constant 0 : i32
    %dma_start3A_31 = tpu.memref_slice %arg5[%dma_start3A_24, %dma_start3A_30] : memref<8x128xi32, #tpu.memory_space<vmem>> -> memref<1x128xi32, #tpu.memory_space<vmem>>
    %dma_start3A_32 = tpu.memref_squeeze %dma_start3A_31 : memref<1x128xi32, #tpu.memory_space<vmem>> -> memref<128xi32, #tpu.memory_space<vmem>>
    %dma_start3A_33 = arith.constant 0 : i32
    %dma_start3A_34 = arith.constant 0 : i32
    %dma_start3A_35 = tpu.memref_slice %arg2[%dma_start3A_33, %dma_start3A_34] : memref<100000x128xf32, #tpu.memory_space<hbm>> -> memref<100000x128xf32, #tpu.memory_space<hbm>>
    tpu.enqueue_indirect_dma source(%dma_start3A_35 : memref<100000x128xf32, #tpu.memory_space<hbm>>) target(%dma_start3A_29 : memref<128x128xf32, #tpu.memory_space<vmem>>) offsets(%dma_start3A_32 : memref<128xi32, #tpu.memory_space<vmem>>) semaphore(%arg9 : memref<!tpu.dma_semaphore, #tpu.memory_space<semaphore_mem>>)
    %dma_wait3A = arith.constant 0 : i32
    %dma_wait3A_36 = arith.constant 0 : i32
    %dma_wait3A_37 = arith.constant 0 : i32
    %dma_wait3A_38 = arith.constant 0 : i32
    %dma_wait3A_39 = tpu.memref_slice %arg6[%dma_wait3A_36, %dma_wait3A_37, %dma_wait3A_38] : memref<4x128x128xf32, #tpu.memory_space<vmem>> -> memref<1x128x128xf32, #tpu.memory_space<vmem>>
    %dma_wait3A_40 = tpu.memref_squeeze %dma_wait3A_39 : memref<1x128x128xf32, #tpu.memory_space<vmem>> -> memref<128x128xf32, #tpu.memory_space<vmem>>
    %dma_wait3A_41 = arith.constant 0 : i32
    %dma_wait3A_42 = tpu.memref_slice %arg5[%dma_wait3A, %dma_wait3A_41] : memref<8x128xi32, #tpu.memory_space<vmem>> -> memref<1x128xi32, #tpu.memory_space<vmem>>
    %dma_wait3A_43 = tpu.memref_squeeze %dma_wait3A_42 : memref<1x128xi32, #tpu.memory_space<vmem>> -> memref<128xi32, #tpu.memory_space<vmem>>
    %dma_wait3A_44 = arith.constant 0 : i32
    %dma_wait3A_45 = arith.constant 0 : i32
    %dma_wait3A_46 = tpu.memref_slice %arg2[%dma_wait3A_44, %dma_wait3A_45] : memref<100000x128xf32, #tpu.memory_space<hbm>> -> memref<100000x128xf32, #tpu.memory_space<hbm>>
    tpu.wait_indirect_dma semaphore(%arg7 : memref<!tpu.dma_semaphore, #tpu.memory_space<semaphore_mem>>) src(%dma_wait3A_46 : memref<100000x128xf32, #tpu.memory_space<hbm>>) dst(%dma_wait3A_40 : memref<128x128xf32, #tpu.memory_space<vmem>>)
    %mul3A_47 = arith.constant 1024 : i32
    %mul3A_48 = arith.muli %add3A, %mul3A_47 : i32
    %add3A_49 = arith.constant 0 : i32
    %add3A_50 = arith.addi %mul3A_48, %add3A_49 : i32
    %dma_start3A_51 = arith.constant 0 : i32
    %dma_start3A_52 = arith.constant 0 : i32
    %dma_start3A_53 = arith.constant 0 : i32
    %dma_start3A_54 = tpu.memref_slice %arg6[%dma_start3A_51, %dma_start3A_52, %dma_start3A_53] : memref<4x128x128xf32, #tpu.memory_space<vmem>> -> memref<1x128x128xf32, #tpu.memory_space<vmem>>
    %dma_start3A_55 = tpu.memref_squeeze %dma_start3A_54 : memref<1x128x128xf32, #tpu.memory_space<vmem>> -> memref<128x128xf32, #tpu.memory_space<vmem>>
    %dma_start3A_56 = arith.constant 0 : i32
    %dma_start3A_57 = tpu.memref_slice %arg4[%add3A_50, %dma_start3A_56] : memref<32768x128xf32, #tpu.memory_space<hbm>> -> memref<128x128xf32, #tpu.memory_space<hbm>>
    %dma_start3A_58 = arith.constant 0 : i32
    %dma_start3A_59 = tpu.memref_slice %arg4[%add3A_50, %dma_start3A_58] : memref<32768x128xf32, #tpu.memory_space<hbm>> -> memref<128x128xf32, #tpu.memory_space<hbm>>
    %dma_start3A_60 = arith.constant 0 : i32
    %dma_start3A_61 = arith.constant 0 : i32
    %dma_start3A_62 = tpu.memref_slice %arg6[%dma_start3A_51, %dma_start3A_60, %dma_start3A_61] : memref<4x128x128xf32, #tpu.memory_space<vmem>> -> memref<1x128x128xf32, #tpu.memory_space<vmem>>
    %dma_start3A_63 = tpu.memref_squeeze %dma_start3A_62 : memref<1x128x128xf32, #tpu.memory_space<vmem>> -> memref<128x128xf32, #tpu.memory_space<vmem>>
    tpu.enqueue_dma source(%dma_start3A_63 : memref<128x128xf32, #tpu.memory_space<vmem>>) target(%dma_start3A_59 : memref<128x128xf32, #tpu.memory_space<hbm>>) target_semaphore(%arg11 : memref<!tpu.dma_semaphore, #tpu.memory_space<semaphore_mem>>)
    %dma_start3A_64 = arith.constant 3 : i32
    %dma_start3A_65 = arith.constant 3 : i32
    %dma_start3A_66 = arith.constant 0 : i32
    %dma_start3A_67 = arith.constant 0 : i32
    %dma_start3A_68 = tpu.memref_slice %arg6[%dma_start3A_65, %dma_start3A_66, %dma_start3A_67] : memref<4x128x128xf32, #tpu.memory_space<vmem>> -> memref<1x128x128xf32, #tpu.memory_space<vmem>>
    %dma_start3A_69 = tpu.memref_squeeze %dma_start3A_68 : memref<1x128x128xf32, #tpu.memory_space<vmem>> -> memref<128x128xf32, #tpu.memory_space<vmem>>
    %dma_start3A_70 = arith.constant 0 : i32
    %dma_start3A_71 = tpu.memref_slice %arg5[%dma_start3A_64, %dma_start3A_70] : memref<8x128xi32, #tpu.memory_space<vmem>> -> memref<1x128xi32, #tpu.memory_space<vmem>>
    %dma_start3A_72 = tpu.memref_squeeze %dma_start3A_71 : memref<1x128xi32, #tpu.memory_space<vmem>> -> memref<128xi32, #tpu.memory_space<vmem>>
    %dma_start3A_73 = arith.constant 0 : i32
    %dma_start3A_74 = arith.constant 0 : i32
    %dma_start3A_75 = tpu.memref_slice %arg2[%dma_start3A_73, %dma_start3A_74] : memref<100000x128xf32, #tpu.memory_space<hbm>> -> memref<100000x128xf32, #tpu.memory_space<hbm>>
    tpu.enqueue_indirect_dma source(%dma_start3A_75 : memref<100000x128xf32, #tpu.memory_space<hbm>>) target(%dma_start3A_69 : memref<128x128xf32, #tpu.memory_space<vmem>>) offsets(%dma_start3A_72 : memref<128xi32, #tpu.memory_space<vmem>>) semaphore(%arg10 : memref<!tpu.dma_semaphore, #tpu.memory_space<semaphore_mem>>)
    %dma_wait3A_76 = arith.constant 1 : i32
    %dma_wait3A_77 = arith.constant 1 : i32
    %dma_wait3A_78 = arith.constant 0 : i32
    %dma_wait3A_79 = arith.constant 0 : i32
    %dma_wait3A_80 = tpu.memref_slice %arg6[%dma_wait3A_77, %dma_wait3A_78, %dma_wait3A_79] : memref<4x128x128xf32, #tpu.memory_space<vmem>> -> memref<1x128x128xf32, #tpu.memory_space<vmem>>
    %dma_wait3A_81 = tpu.memref_squeeze %dma_wait3A_80 : memref<1x128x128xf32, #tpu.memory_space<vmem>> -> memref<128x128xf32, #tpu.memory_space<vmem>>
    %dma_wait3A_82 = arith.constant 0 : i32
    %dma_wait3A_83 = tpu.memref_slice %arg5[%dma_wait3A_76, %dma_wait3A_82] : memref<8x128xi32, #tpu.memory_space<vmem>> -> memref<1x128xi32, #tpu.memory_space<vmem>>
    %dma_wait3A_84 = tpu.memref_squeeze %dma_wait3A_83 : memref<1x128xi32, #tpu.memory_space<vmem>> -> memref<128xi32, #tpu.memory_space<vmem>>
    %dma_wait3A_85 = arith.constant 0 : i32
    %dma_wait3A_86 = arith.constant 0 : i32
    %dma_wait3A_87 = tpu.memref_slice %arg2[%dma_wait3A_85, %dma_wait3A_86] : memref<100000x128xf32, #tpu.memory_space<hbm>> -> memref<100000x128xf32, #tpu.memory_space<hbm>>
    tpu.wait_indirect_dma semaphore(%arg8 : memref<!tpu.dma_semaphore, #tpu.memory_space<semaphore_mem>>) src(%dma_wait3A_87 : memref<100000x128xf32, #tpu.memory_space<hbm>>) dst(%dma_wait3A_81 : memref<128x128xf32, #tpu.memory_space<vmem>>)
    %mul3A_88 = arith.constant 1024 : i32
    %mul3A_89 = arith.muli %add3A, %mul3A_88 : i32
    %add3A_90 = arith.constant 128 : i32
    %add3A_91 = arith.addi %mul3A_89, %add3A_90 : i32
    %dma_start3A_92 = arith.constant 1 : i32
    %dma_start3A_93 = arith.constant 0 : i32
    %dma_start3A_94 = arith.constant 0 : i32
    %dma_start3A_95 = tpu.memref_slice %arg6[%dma_start3A_92, %dma_start3A_93, %dma_start3A_94] : memref<4x128x128xf32, #tpu.memory_space<vmem>> -> memref<1x128x128xf32, #tpu.memory_space<vmem>>
    %dma_start3A_96 = tpu.memref_squeeze %dma_start3A_95 : memref<1x128x128xf32, #tpu.memory_space<vmem>> -> memref<128x128xf32, #tpu.memory_space<vmem>>
    %dma_start3A_97 = arith.constant 0 : i32
    %dma_start3A_98 = tpu.memref_slice %arg4[%add3A_91, %dma_start3A_97] : memref<32768x128xf32, #tpu.memory_space<hbm>> -> memref<128x128xf32, #tpu.memory_space<hbm>>
    %dma_start3A_99 = arith.constant 0 : i32
    %dma_start3A_100 = tpu.memref_slice %arg4[%add3A_91, %dma_start3A_99] : memref<32768x128xf32, #tpu.memory_space<hbm>> -> memref<128x128xf32, #tpu.memory_space<hbm>>
    %dma_start3A_101 = arith.constant 0 : i32
    %dma_start3A_102 = arith.constant 0 : i32
    %dma_start3A_103 = tpu.memref_slice %arg6[%dma_start3A_92, %dma_start3A_101, %dma_start3A_102] : memref<4x128x128xf32, #tpu.memory_space<vmem>> -> memref<1x128x128xf32, #tpu.memory_space<vmem>>
    %dma_start3A_104 = tpu.memref_squeeze %dma_start3A_103 : memref<1x128x128xf32, #tpu.memory_space<vmem>> -> memref<128x128xf32, #tpu.memory_space<vmem>>
    tpu.enqueue_dma source(%dma_start3A_104 : memref<128x128xf32, #tpu.memory_space<vmem>>) target(%dma_start3A_100 : memref<128x128xf32, #tpu.memory_space<hbm>>) target_semaphore(%arg12 : memref<!tpu.dma_semaphore, #tpu.memory_space<semaphore_mem>>)
    %dma_wait3A_105 = arith.constant 0 : i32
    %dma_wait3A_106 = arith.constant 0 : i32
    %dma_wait3A_107 = arith.constant 0 : i32
    %dma_wait3A_108 = tpu.memref_slice %arg6[%dma_wait3A_105, %dma_wait3A_106, %dma_wait3A_107] : memref<4x128x128xf32, #tpu.memory_space<vmem>> -> memref<1x128x128xf32, #tpu.memory_space<vmem>>
    %dma_wait3A_109 = tpu.memref_squeeze %dma_wait3A_108 : memref<1x128x128xf32, #tpu.memory_space<vmem>> -> memref<128x128xf32, #tpu.memory_space<vmem>>
    %dma_wait3A_110 = arith.constant 0 : i32
    %dma_wait3A_111 = tpu.memref_slice %arg4[%add3A_50, %dma_wait3A_110] : memref<32768x128xf32, #tpu.memory_space<hbm>> -> memref<128x128xf32, #tpu.memory_space<hbm>>
    %dma_wait3A_112 = arith.constant 0 : i32
    %dma_wait3A_113 = tpu.memref_slice %arg4[%add3A_50, %dma_wait3A_112] : memref<32768x128xf32, #tpu.memory_space<hbm>> -> memref<128x128xf32, #tpu.memory_space<hbm>>
    %dma_wait3A_114 = arith.constant 0 : i32
    %dma_wait3A_115 = arith.constant 0 : i32
    %dma_wait3A_116 = tpu.memref_slice %arg6[%dma_wait3A_105, %dma_wait3A_114, %dma_wait3A_115] : memref<4x128x128xf32, #tpu.memory_space<vmem>> -> memref<1x128x128xf32, #tpu.memory_space<vmem>>
    %dma_wait3A_117 = tpu.memref_squeeze %dma_wait3A_116 : memref<1x128x128xf32, #tpu.memory_space<vmem>> -> memref<128x128xf32, #tpu.memory_space<vmem>>
    tpu.wait_dma2 semaphore(%arg11 : memref<!tpu.dma_semaphore, #tpu.memory_space<semaphore_mem>>) src(%dma_wait3A_117 : memref<128x128xf32, #tpu.memory_space<vmem>>) dst(%dma_wait3A_113 : memref<128x128xf32, #tpu.memory_space<hbm>>)
    %dma_start3A_118 = arith.constant 4 : i32
    %dma_start3A_119 = arith.constant 0 : i32
    %dma_start3A_120 = arith.constant 0 : i32
    %dma_start3A_121 = arith.constant 0 : i32
    %dma_start3A_122 = tpu.memref_slice %arg6[%dma_start3A_119, %dma_start3A_120, %dma_start3A_121] : memref<4x128x128xf32, #tpu.memory_space<vmem>> -> memref<1x128x128xf32, #tpu.memory_space<vmem>>
    %dma_start3A_123 = tpu.memref_squeeze %dma_start3A_122 : memref<1x128x128xf32, #tpu.memory_space<vmem>> -> memref<128x128xf32, #tpu.memory_space<vmem>>
    %dma_start3A_124 = arith.constant 0 : i32
    %dma_start3A_125 = tpu.memref_slice %arg5[%dma_start3A_118, %dma_start3A_124] : memref<8x128xi32, #tpu.memory_space<vmem>> -> memref<1x128xi32, #tpu.memory_space<vmem>>
    %dma_start3A_126 = tpu.memref_squeeze %dma_start3A_125 : memref<1x128xi32, #tpu.memory_space<vmem>> -> memref<128xi32, #tpu.memory_space<vmem>>
    %dma_start3A_127 = arith.constant 0 : i32
    %dma_start3A_128 = arith.constant 0 : i32
    %dma_start3A_129 = tpu.memref_slice %arg2[%dma_start3A_127, %dma_start3A_128] : memref<100000x128xf32, #tpu.memory_space<hbm>> -> memref<100000x128xf32, #tpu.memory_space<hbm>>
    tpu.enqueue_indirect_dma source(%dma_start3A_129 : memref<100000x128xf32, #tpu.memory_space<hbm>>) target(%dma_start3A_123 : memref<128x128xf32, #tpu.memory_space<vmem>>) offsets(%dma_start3A_126 : memref<128xi32, #tpu.memory_space<vmem>>) semaphore(%arg7 : memref<!tpu.dma_semaphore, #tpu.memory_space<semaphore_mem>>)
    %dma_wait3A_130 = arith.constant 2 : i32
    %dma_wait3A_131 = arith.constant 2 : i32
    %dma_wait3A_132 = arith.constant 0 : i32
    %dma_wait3A_133 = arith.constant 0 : i32
    %dma_wait3A_134 = tpu.memref_slice %arg6[%dma_wait3A_131, %dma_wait3A_132, %dma_wait3A_133] : memref<4x128x128xf32, #tpu.memory_space<vmem>> -> memref<1x128x128xf32, #tpu.memory_space<vmem>>
    %dma_wait3A_135 = tpu.memref_squeeze %dma_wait3A_134 : memref<1x128x128xf32, #tpu.memory_space<vmem>> -> memref<128x128xf32, #tpu.memory_space<vmem>>
    %dma_wait3A_136 = arith.constant 0 : i32
    %dma_wait3A_137 = tpu.memref_slice %arg5[%dma_wait3A_130, %dma_wait3A_136] : memref<8x128xi32, #tpu.memory_space<vmem>> -> memref<1x128xi32, #tpu.memory_space<vmem>>
    %dma_wait3A_138 = tpu.memref_squeeze %dma_wait3A_137 : memref<1x128xi32, #tpu.memory_space<vmem>> -> memref<128xi32, #tpu.memory_space<vmem>>
    %dma_wait3A_139 = arith.constant 0 : i32
    %dma_wait3A_140 = arith.constant 0 : i32
    %dma_wait3A_141 = tpu.memref_slice %arg2[%dma_wait3A_139, %dma_wait3A_140] : memref<100000x128xf32, #tpu.memory_space<hbm>> -> memref<100000x128xf32, #tpu.memory_space<hbm>>
    tpu.wait_indirect_dma semaphore(%arg9 : memref<!tpu.dma_semaphore, #tpu.memory_space<semaphore_mem>>) src(%dma_wait3A_141 : memref<100000x128xf32, #tpu.memory_space<hbm>>) dst(%dma_wait3A_135 : memref<128x128xf32, #tpu.memory_space<vmem>>)
    %mul3A_142 = arith.constant 1024 : i32
    %mul3A_143 = arith.muli %add3A, %mul3A_142 : i32
    %add3A_144 = arith.constant 256 : i32
    %add3A_145 = arith.addi %mul3A_143, %add3A_144 : i32
    %dma_start3A_146 = arith.constant 2 : i32
    %dma_start3A_147 = arith.constant 0 : i32
    %dma_start3A_148 = arith.constant 0 : i32
    %dma_start3A_149 = tpu.memref_slice %arg6[%dma_start3A_146, %dma_start3A_147, %dma_start3A_148] : memref<4x128x128xf32, #tpu.memory_space<vmem>> -> memref<1x128x128xf32, #tpu.memory_space<vmem>>
    %dma_start3A_150 = tpu.memref_squeeze %dma_start3A_149 : memref<1x128x128xf32, #tpu.memory_space<vmem>> -> memref<128x128xf32, #tpu.memory_space<vmem>>
    %dma_start3A_151 = arith.constant 0 : i32
    %dma_start3A_152 = tpu.memref_slice %arg4[%add3A_145, %dma_start3A_151] : memref<32768x128xf32, #tpu.memory_space<hbm>> -> memref<128x128xf32, #tpu.memory_space<hbm>>
    %dma_start3A_153 = arith.constant 0 : i32
    %dma_start3A_154 = tpu.memref_slice %arg4[%add3A_145, %dma_start3A_153] : memref<32768x128xf32, #tpu.memory_space<hbm>> -> memref<128x128xf32, #tpu.memory_space<hbm>>
    %dma_start3A_155 = arith.constant 0 : i32
    %dma_start3A_156 = arith.constant 0 : i32
    %dma_start3A_157 = tpu.memref_slice %arg6[%dma_start3A_146, %dma_start3A_155, %dma_start3A_156] : memref<4x128x128xf32, #tpu.memory_space<vmem>> -> memref<1x128x128xf32, #tpu.memory_space<vmem>>
    %dma_start3A_158 = tpu.memref_squeeze %dma_start3A_157 : memref<1x128x128xf32, #tpu.memory_space<vmem>> -> memref<128x128xf32, #tpu.memory_space<vmem>>
    tpu.enqueue_dma source(%dma_start3A_158 : memref<128x128xf32, #tpu.memory_space<vmem>>) target(%dma_start3A_154 : memref<128x128xf32, #tpu.memory_space<hbm>>) target_semaphore(%arg13 : memref<!tpu.dma_semaphore, #tpu.memory_space<semaphore_mem>>)
    %dma_wait3A_159 = arith.constant 1 : i32
    %dma_wait3A_160 = arith.constant 0 : i32
    %dma_wait3A_161 = arith.constant 0 : i32
    %dma_wait3A_162 = tpu.memref_slice %arg6[%dma_wait3A_159, %dma_wait3A_160, %dma_wait3A_161] : memref<4x128x128xf32, #tpu.memory_space<vmem>> -> memref<1x128x128xf32, #tpu.memory_space<vmem>>
    %dma_wait3A_163 = tpu.memref_squeeze %dma_wait3A_162 : memref<1x128x128xf32, #tpu.memory_space<vmem>> -> memref<128x128xf32, #tpu.memory_space<vmem>>
    %dma_wait3A_164 = arith.constant 0 : i32
    %dma_wait3A_165 = tpu.memref_slice %arg4[%add3A_91, %dma_wait3A_164] : memref<32768x128xf32, #tpu.memory_space<hbm>> -> memref<128x128xf32, #tpu.memory_space<hbm>>
    %dma_wait3A_166 = arith.constant 0 : i32
    %dma_wait3A_167 = tpu.memref_slice %arg4[%add3A_91, %dma_wait3A_166] : memref<32768x128xf32, #tpu.memory_space<hbm>> -> memref<128x128xf32, #tpu.memory_space<hbm>>
    %dma_wait3A_168 = arith.constant 0 : i32
    %dma_wait3A_169 = arith.constant 0 : i32
    %dma_wait3A_170 = tpu.memref_slice %arg6[%dma_wait3A_159, %dma_wait3A_168, %dma_wait3A_169] : memref<4x128x128xf32, #tpu.memory_space<vmem>> -> memref<1x128x128xf32, #tpu.memory_space<vmem>>
    %dma_wait3A_171 = tpu.memref_squeeze %dma_wait3A_170 : memref<1x128x128xf32, #tpu.memory_space<vmem>> -> memref<128x128xf32, #tpu.memory_space<vmem>>
    tpu.wait_dma2 semaphore(%arg12 : memref<!tpu.dma_semaphore, #tpu.memory_space<semaphore_mem>>) src(%dma_wait3A_171 : memref<128x128xf32, #tpu.memory_space<vmem>>) dst(%dma_wait3A_167 : memref<128x128xf32, #tpu.memory_space<hbm>>)
    %dma_start3A_172 = arith.constant 5 : i32
    %dma_start3A_173 = arith.constant 1 : i32
    %dma_start3A_174 = arith.constant 0 : i32
    %dma_start3A_175 = arith.constant 0 : i32
    %dma_start3A_176 = tpu.memref_slice %arg6[%dma_start3A_173, %dma_start3A_174, %dma_start3A_175] : memref<4x128x128xf32, #tpu.memory_space<vmem>> -> memref<1x128x128xf32, #tpu.memory_space<vmem>>
    %dma_start3A_177 = tpu.memref_squeeze %dma_start3A_176 : memref<1x128x128xf32, #tpu.memory_space<vmem>> -> memref<128x128xf32, #tpu.memory_space<vmem>>
    %dma_start3A_178 = arith.constant 0 : i32
    %dma_start3A_179 = tpu.memref_slice %arg5[%dma_start3A_172, %dma_start3A_178] : memref<8x128xi32, #tpu.memory_space<vmem>> -> memref<1x128xi32, #tpu.memory_space<vmem>>
    %dma_start3A_180 = tpu.memref_squeeze %dma_start3A_179 : memref<1x128xi32, #tpu.memory_space<vmem>> -> memref<128xi32, #tpu.memory_space<vmem>>
    %dma_start3A_181 = arith.constant 0 : i32
    %dma_start3A_182 = arith.constant 0 : i32
    %dma_start3A_183 = tpu.memref_slice %arg2[%dma_start3A_181, %dma_start3A_182] : memref<100000x128xf32, #tpu.memory_space<hbm>> -> memref<100000x128xf32, #tpu.memory_space<hbm>>
    tpu.enqueue_indirect_dma source(%dma_start3A_183 : memref<100000x128xf32, #tpu.memory_space<hbm>>) target(%dma_start3A_177 : memref<128x128xf32, #tpu.memory_space<vmem>>) offsets(%dma_start3A_180 : memref<128xi32, #tpu.memory_space<vmem>>) semaphore(%arg8 : memref<!tpu.dma_semaphore, #tpu.memory_space<semaphore_mem>>)
    %dma_wait3A_184 = arith.constant 3 : i32
    %dma_wait3A_185 = arith.constant 3 : i32
    %dma_wait3A_186 = arith.constant 0 : i32
    %dma_wait3A_187 = arith.constant 0 : i32
    %dma_wait3A_188 = tpu.memref_slice %arg6[%dma_wait3A_185, %dma_wait3A_186, %dma_wait3A_187] : memref<4x128x128xf32, #tpu.memory_space<vmem>> -> memref<1x128x128xf32, #tpu.memory_space<vmem>>
    %dma_wait3A_189 = tpu.memref_squeeze %dma_wait3A_188 : memref<1x128x128xf32, #tpu.memory_space<vmem>> -> memref<128x128xf32, #tpu.memory_space<vmem>>
    %dma_wait3A_190 = arith.constant 0 : i32
    %dma_wait3A_191 = tpu.memref_slice %arg5[%dma_wait3A_184, %dma_wait3A_190] : memref<8x128xi32, #tpu.memory_space<vmem>> -> memref<1x128xi32, #tpu.memory_space<vmem>>
    %dma_wait3A_192 = tpu.memref_squeeze %dma_wait3A_191 : memref<1x128xi32, #tpu.memory_space<vmem>> -> memref<128xi32, #tpu.memory_space<vmem>>
    %dma_wait3A_193 = arith.constant 0 : i32
    %dma_wait3A_194 = arith.constant 0 : i32
    %dma_wait3A_195 = tpu.memref_slice %arg2[%dma_wait3A_193, %dma_wait3A_194] : memref<100000x128xf32, #tpu.memory_space<hbm>> -> memref<100000x128xf32, #tpu.memory_space<hbm>>
    tpu.wait_indirect_dma semaphore(%arg10 : memref<!tpu.dma_semaphore, #tpu.memory_space<semaphore_mem>>) src(%dma_wait3A_195 : memref<100000x128xf32, #tpu.memory_space<hbm>>) dst(%dma_wait3A_189 : memref<128x128xf32, #tpu.memory_space<vmem>>)
    %mul3A_196 = arith.constant 1024 : i32
    %mul3A_197 = arith.muli %add3A, %mul3A_196 : i32
    %add3A_198 = arith.constant 384 : i32
    %add3A_199 = arith.addi %mul3A_197, %add3A_198 : i32
    %dma_start3A_200 = arith.constant 3 : i32
    %dma_start3A_201 = arith.constant 0 : i32
    %dma_start3A_202 = arith.constant 0 : i32
    %dma_start3A_203 = tpu.memref_slice %arg6[%dma_start3A_200, %dma_start3A_201, %dma_start3A_202] : memref<4x128x128xf32, #tpu.memory_space<vmem>> -> memref<1x128x128xf32, #tpu.memory_space<vmem>>
    %dma_start3A_204 = tpu.memref_squeeze %dma_start3A_203 : memref<1x128x128xf32, #tpu.memory_space<vmem>> -> memref<128x128xf32, #tpu.memory_space<vmem>>
    %dma_start3A_205 = arith.constant 0 : i32
    %dma_start3A_206 = tpu.memref_slice %arg4[%add3A_199, %dma_start3A_205] : memref<32768x128xf32, #tpu.memory_space<hbm>> -> memref<128x128xf32, #tpu.memory_space<hbm>>
    %dma_start3A_207 = arith.constant 0 : i32
    %dma_start3A_208 = tpu.memref_slice %arg4[%add3A_199, %dma_start3A_207] : memref<32768x128xf32, #tpu.memory_space<hbm>> -> memref<128x128xf32, #tpu.memory_space<hbm>>
    %dma_start3A_209 = arith.constant 0 : i32
    %dma_start3A_210 = arith.constant 0 : i32
    %dma_start3A_211 = tpu.memref_slice %arg6[%dma_start3A_200, %dma_start3A_209, %dma_start3A_210] : memref<4x128x128xf32, #tpu.memory_space<vmem>> -> memref<1x128x128xf32, #tpu.memory_space<vmem>>
    %dma_start3A_212 = tpu.memref_squeeze %dma_start3A_211 : memref<1x128x128xf32, #tpu.memory_space<vmem>> -> memref<128x128xf32, #tpu.memory_space<vmem>>
    tpu.enqueue_dma source(%dma_start3A_212 : memref<128x128xf32, #tpu.memory_space<vmem>>) target(%dma_start3A_208 : memref<128x128xf32, #tpu.memory_space<hbm>>) target_semaphore(%arg14 : memref<!tpu.dma_semaphore, #tpu.memory_space<semaphore_mem>>)
    %dma_wait3A_213 = arith.constant 2 : i32
    %dma_wait3A_214 = arith.constant 0 : i32
    %dma_wait3A_215 = arith.constant 0 : i32
    %dma_wait3A_216 = tpu.memref_slice %arg6[%dma_wait3A_213, %dma_wait3A_214, %dma_wait3A_215] : memref<4x128x128xf32, #tpu.memory_space<vmem>> -> memref<1x128x128xf32, #tpu.memory_space<vmem>>
    %dma_wait3A_217 = tpu.memref_squeeze %dma_wait3A_216 : memref<1x128x128xf32, #tpu.memory_space<vmem>> -> memref<128x128xf32, #tpu.memory_space<vmem>>
    %dma_wait3A_218 = arith.constant 0 : i32
    %dma_wait3A_219 = tpu.memref_slice %arg4[%add3A_145, %dma_wait3A_218] : memref<32768x128xf32, #tpu.memory_space<hbm>> -> memref<128x128xf32, #tpu.memory_space<hbm>>
    %dma_wait3A_220 = arith.constant 0 : i32
    %dma_wait3A_221 = tpu.memref_slice %arg4[%add3A_145, %dma_wait3A_220] : memref<32768x128xf32, #tpu.memory_space<hbm>> -> memref<128x128xf32, #tpu.memory_space<hbm>>
    %dma_wait3A_222 = arith.constant 0 : i32
    %dma_wait3A_223 = arith.constant 0 : i32
    %dma_wait3A_224 = tpu.memref_slice %arg6[%dma_wait3A_213, %dma_wait3A_222, %dma_wait3A_223] : memref<4x128x128xf32, #tpu.memory_space<vmem>> -> memref<1x128x128xf32, #tpu.memory_space<vmem>>
    %dma_wait3A_225 = tpu.memref_squeeze %dma_wait3A_224 : memref<1x128x128xf32, #tpu.memory_space<vmem>> -> memref<128x128xf32, #tpu.memory_space<vmem>>
    tpu.wait_dma2 semaphore(%arg13 : memref<!tpu.dma_semaphore, #tpu.memory_space<semaphore_mem>>) src(%dma_wait3A_225 : memref<128x128xf32, #tpu.memory_space<vmem>>) dst(%dma_wait3A_221 : memref<128x128xf32, #tpu.memory_space<hbm>>)
    %dma_start3A_226 = arith.constant 6 : i32
    %dma_start3A_227 = arith.constant 2 : i32
    %dma_start3A_228 = arith.constant 0 : i32
    %dma_start3A_229 = arith.constant 0 : i32
    %dma_start3A_230 = tpu.memref_slice %arg6[%dma_start3A_227, %dma_start3A_228, %dma_start3A_229] : memref<4x128x128xf32, #tpu.memory_space<vmem>> -> memref<1x128x128xf32, #tpu.memory_space<vmem>>
    %dma_start3A_231 = tpu.memref_squeeze %dma_start3A_230 : memref<1x128x128xf32, #tpu.memory_space<vmem>> -> memref<128x128xf32, #tpu.memory_space<vmem>>
    %dma_start3A_232 = arith.constant 0 : i32
    %dma_start3A_233 = tpu.memref_slice %arg5[%dma_start3A_226, %dma_start3A_232] : memref<8x128xi32, #tpu.memory_space<vmem>> -> memref<1x128xi32, #tpu.memory_space<vmem>>
    %dma_start3A_234 = tpu.memref_squeeze %dma_start3A_233 : memref<1x128xi32, #tpu.memory_space<vmem>> -> memref<128xi32, #tpu.memory_space<vmem>>
    %dma_start3A_235 = arith.constant 0 : i32
    %dma_start3A_236 = arith.constant 0 : i32
    %dma_start3A_237 = tpu.memref_slice %arg2[%dma_start3A_235, %dma_start3A_236] : memref<100000x128xf32, #tpu.memory_space<hbm>> -> memref<100000x128xf32, #tpu.memory_space<hbm>>
    tpu.enqueue_indirect_dma source(%dma_start3A_237 : memref<100000x128xf32, #tpu.memory_space<hbm>>) target(%dma_start3A_231 : memref<128x128xf32, #tpu.memory_space<vmem>>) offsets(%dma_start3A_234 : memref<128xi32, #tpu.memory_space<vmem>>) semaphore(%arg9 : memref<!tpu.dma_semaphore, #tpu.memory_space<semaphore_mem>>)
    %dma_wait3A_238 = arith.constant 4 : i32
    %dma_wait3A_239 = arith.constant 0 : i32
    %dma_wait3A_240 = arith.constant 0 : i32
    %dma_wait3A_241 = arith.constant 0 : i32
    %dma_wait3A_242 = tpu.memref_slice %arg6[%dma_wait3A_239, %dma_wait3A_240, %dma_wait3A_241] : memref<4x128x128xf32, #tpu.memory_space<vmem>> -> memref<1x128x128xf32, #tpu.memory_space<vmem>>
    %dma_wait3A_243 = tpu.memref_squeeze %dma_wait3A_242 : memref<1x128x128xf32, #tpu.memory_space<vmem>> -> memref<128x128xf32, #tpu.memory_space<vmem>>
    %dma_wait3A_244 = arith.constant 0 : i32
    %dma_wait3A_245 = tpu.memref_slice %arg5[%dma_wait3A_238, %dma_wait3A_244] : memref<8x128xi32, #tpu.memory_space<vmem>> -> memref<1x128xi32, #tpu.memory_space<vmem>>
    %dma_wait3A_246 = tpu.memref_squeeze %dma_wait3A_245 : memref<1x128xi32, #tpu.memory_space<vmem>> -> memref<128xi32, #tpu.memory_space<vmem>>
    %dma_wait3A_247 = arith.constant 0 : i32
    %dma_wait3A_248 = arith.constant 0 : i32
    %dma_wait3A_249 = tpu.memref_slice %arg2[%dma_wait3A_247, %dma_wait3A_248] : memref<100000x128xf32, #tpu.memory_space<hbm>> -> memref<100000x128xf32, #tpu.memory_space<hbm>>
    tpu.wait_indirect_dma semaphore(%arg7 : memref<!tpu.dma_semaphore, #tpu.memory_space<semaphore_mem>>) src(%dma_wait3A_249 : memref<100000x128xf32, #tpu.memory_space<hbm>>) dst(%dma_wait3A_243 : memref<128x128xf32, #tpu.memory_space<vmem>>)
    %mul3A_250 = arith.constant 1024 : i32
    %mul3A_251 = arith.muli %add3A, %mul3A_250 : i32
    %add3A_252 = arith.constant 512 : i32
    %add3A_253 = arith.addi %mul3A_251, %add3A_252 : i32
    %dma_start3A_254 = arith.constant 0 : i32
    %dma_start3A_255 = arith.constant 0 : i32
    %dma_start3A_256 = arith.constant 0 : i32
    %dma_start3A_257 = tpu.memref_slice %arg6[%dma_start3A_254, %dma_start3A_255, %dma_start3A_256] : memref<4x128x128xf32, #tpu.memory_space<vmem>> -> memref<1x128x128xf32, #tpu.memory_space<vmem>>
    %dma_start3A_258 = tpu.memref_squeeze %dma_start3A_257 : memref<1x128x128xf32, #tpu.memory_space<vmem>> -> memref<128x128xf32, #tpu.memory_space<vmem>>
    %dma_start3A_259 = arith.constant 0 : i32
    %dma_start3A_260 = tpu.memref_slice %arg4[%add3A_253, %dma_start3A_259] : memref<32768x128xf32, #tpu.memory_space<hbm>> -> memref<128x128xf32, #tpu.memory_space<hbm>>
    %dma_start3A_261 = arith.constant 0 : i32
    %dma_start3A_262 = tpu.memref_slice %arg4[%add3A_253, %dma_start3A_261] : memref<32768x128xf32, #tpu.memory_space<hbm>> -> memref<128x128xf32, #tpu.memory_space<hbm>>
    %dma_start3A_263 = arith.constant 0 : i32
    %dma_start3A_264 = arith.constant 0 : i32
    %dma_start3A_265 = tpu.memref_slice %arg6[%dma_start3A_254, %dma_start3A_263, %dma_start3A_264] : memref<4x128x128xf32, #tpu.memory_space<vmem>> -> memref<1x128x128xf32, #tpu.memory_space<vmem>>
    %dma_start3A_266 = tpu.memref_squeeze %dma_start3A_265 : memref<1x128x128xf32, #tpu.memory_space<vmem>> -> memref<128x128xf32, #tpu.memory_space<vmem>>
    tpu.enqueue_dma source(%dma_start3A_266 : memref<128x128xf32, #tpu.memory_space<vmem>>) target(%dma_start3A_262 : memref<128x128xf32, #tpu.memory_space<hbm>>) target_semaphore(%arg11 : memref<!tpu.dma_semaphore, #tpu.memory_space<semaphore_mem>>)
    %dma_wait3A_267 = arith.constant 3 : i32
    %dma_wait3A_268 = arith.constant 0 : i32
    %dma_wait3A_269 = arith.constant 0 : i32
    %dma_wait3A_270 = tpu.memref_slice %arg6[%dma_wait3A_267, %dma_wait3A_268, %dma_wait3A_269] : memref<4x128x128xf32, #tpu.memory_space<vmem>> -> memref<1x128x128xf32, #tpu.memory_space<vmem>>
    %dma_wait3A_271 = tpu.memref_squeeze %dma_wait3A_270 : memref<1x128x128xf32, #tpu.memory_space<vmem>> -> memref<128x128xf32, #tpu.memory_space<vmem>>
    %dma_wait3A_272 = arith.constant 0 : i32
    %dma_wait3A_273 = tpu.memref_slice %arg4[%add3A_199, %dma_wait3A_272] : memref<32768x128xf32, #tpu.memory_space<hbm>> -> memref<128x128xf32, #tpu.memory_space<hbm>>
    %dma_wait3A_274 = arith.constant 0 : i32
    %dma_wait3A_275 = tpu.memref_slice %arg4[%add3A_199, %dma_wait3A_274] : memref<32768x128xf32, #tpu.memory_space<hbm>> -> memref<128x128xf32, #tpu.memory_space<hbm>>
    %dma_wait3A_276 = arith.constant 0 : i32
    %dma_wait3A_277 = arith.constant 0 : i32
    %dma_wait3A_278 = tpu.memref_slice %arg6[%dma_wait3A_267, %dma_wait3A_276, %dma_wait3A_277] : memref<4x128x128xf32, #tpu.memory_space<vmem>> -> memref<1x128x128xf32, #tpu.memory_space<vmem>>
    %dma_wait3A_279 = tpu.memref_squeeze %dma_wait3A_278 : memref<1x128x128xf32, #tpu.memory_space<vmem>> -> memref<128x128xf32, #tpu.memory_space<vmem>>
    tpu.wait_dma2 semaphore(%arg14 : memref<!tpu.dma_semaphore, #tpu.memory_space<semaphore_mem>>) src(%dma_wait3A_279 : memref<128x128xf32, #tpu.memory_space<vmem>>) dst(%dma_wait3A_275 : memref<128x128xf32, #tpu.memory_space<hbm>>)
    %dma_start3A_280 = arith.constant 7 : i32
    %dma_start3A_281 = arith.constant 3 : i32
    %dma_start3A_282 = arith.constant 0 : i32
    %dma_start3A_283 = arith.constant 0 : i32
    %dma_start3A_284 = tpu.memref_slice %arg6[%dma_start3A_281, %dma_start3A_282, %dma_start3A_283] : memref<4x128x128xf32, #tpu.memory_space<vmem>> -> memref<1x128x128xf32, #tpu.memory_space<vmem>>
    %dma_start3A_285 = tpu.memref_squeeze %dma_start3A_284 : memref<1x128x128xf32, #tpu.memory_space<vmem>> -> memref<128x128xf32, #tpu.memory_space<vmem>>
    %dma_start3A_286 = arith.constant 0 : i32
    %dma_start3A_287 = tpu.memref_slice %arg5[%dma_start3A_280, %dma_start3A_286] : memref<8x128xi32, #tpu.memory_space<vmem>> -> memref<1x128xi32, #tpu.memory_space<vmem>>
    %dma_start3A_288 = tpu.memref_squeeze %dma_start3A_287 : memref<1x128xi32, #tpu.memory_space<vmem>> -> memref<128xi32, #tpu.memory_space<vmem>>
    %dma_start3A_289 = arith.constant 0 : i32
    %dma_start3A_290 = arith.constant 0 : i32
    %dma_start3A_291 = tpu.memref_slice %arg2[%dma_start3A_289, %dma_start3A_290] : memref<100000x128xf32, #tpu.memory_space<hbm>> -> memref<100000x128xf32, #tpu.memory_space<hbm>>
    tpu.enqueue_indirect_dma source(%dma_start3A_291 : memref<100000x128xf32, #tpu.memory_space<hbm>>) target(%dma_start3A_285 : memref<128x128xf32, #tpu.memory_space<vmem>>) offsets(%dma_start3A_288 : memref<128xi32, #tpu.memory_space<vmem>>) semaphore(%arg10 : memref<!tpu.dma_semaphore, #tpu.memory_space<semaphore_mem>>)
    %dma_wait3A_292 = arith.constant 5 : i32
    %dma_wait3A_293 = arith.constant 1 : i32
    %dma_wait3A_294 = arith.constant 0 : i32
    %dma_wait3A_295 = arith.constant 0 : i32
    %dma_wait3A_296 = tpu.memref_slice %arg6[%dma_wait3A_293, %dma_wait3A_294, %dma_wait3A_295] : memref<4x128x128xf32, #tpu.memory_space<vmem>> -> memref<1x128x128xf32, #tpu.memory_space<vmem>>
    %dma_wait3A_297 = tpu.memref_squeeze %dma_wait3A_296 : memref<1x128x128xf32, #tpu.memory_space<vmem>> -> memref<128x128xf32, #tpu.memory_space<vmem>>
    %dma_wait3A_298 = arith.constant 0 : i32
    %dma_wait3A_299 = tpu.memref_slice %arg5[%dma_wait3A_292, %dma_wait3A_298] : memref<8x128xi32, #tpu.memory_space<vmem>> -> memref<1x128xi32, #tpu.memory_space<vmem>>
    %dma_wait3A_300 = tpu.memref_squeeze %dma_wait3A_299 : memref<1x128xi32, #tpu.memory_space<vmem>> -> memref<128xi32, #tpu.memory_space<vmem>>
    %dma_wait3A_301 = arith.constant 0 : i32
    %dma_wait3A_302 = arith.constant 0 : i32
    %dma_wait3A_303 = tpu.memref_slice %arg2[%dma_wait3A_301, %dma_wait3A_302] : memref<100000x128xf32, #tpu.memory_space<hbm>> -> memref<100000x128xf32, #tpu.memory_space<hbm>>
    tpu.wait_indirect_dma semaphore(%arg8 : memref<!tpu.dma_semaphore, #tpu.memory_space<semaphore_mem>>) src(%dma_wait3A_303 : memref<100000x128xf32, #tpu.memory_space<hbm>>) dst(%dma_wait3A_297 : memref<128x128xf32, #tpu.memory_space<vmem>>)
    %mul3A_304 = arith.constant 1024 : i32
    %mul3A_305 = arith.muli %add3A, %mul3A_304 : i32
    %add3A_306 = arith.constant 640 : i32
    %add3A_307 = arith.addi %mul3A_305, %add3A_306 : i32
    %dma_start3A_308 = arith.constant 1 : i32
    %dma_start3A_309 = arith.constant 0 : i32
    %dma_start3A_310 = arith.constant 0 : i32
    %dma_start3A_311 = tpu.memref_slice %arg6[%dma_start3A_308, %dma_start3A_309, %dma_start3A_310] : memref<4x128x128xf32, #tpu.memory_space<vmem>> -> memref<1x128x128xf32, #tpu.memory_space<vmem>>
    %dma_start3A_312 = tpu.memref_squeeze %dma_start3A_311 : memref<1x128x128xf32, #tpu.memory_space<vmem>> -> memref<128x128xf32, #tpu.memory_space<vmem>>
    %dma_start3A_313 = arith.constant 0 : i32
    %dma_start3A_314 = tpu.memref_slice %arg4[%add3A_307, %dma_start3A_313] : memref<32768x128xf32, #tpu.memory_space<hbm>> -> memref<128x128xf32, #tpu.memory_space<hbm>>
    %dma_start3A_315 = arith.constant 0 : i32
    %dma_start3A_316 = tpu.memref_slice %arg4[%add3A_307, %dma_start3A_315] : memref<32768x128xf32, #tpu.memory_space<hbm>> -> memref<128x128xf32, #tpu.memory_space<hbm>>
    %dma_start3A_317 = arith.constant 0 : i32
    %dma_start3A_318 = arith.constant 0 : i32
    %dma_start3A_319 = tpu.memref_slice %arg6[%dma_start3A_308, %dma_start3A_317, %dma_start3A_318] : memref<4x128x128xf32, #tpu.memory_space<vmem>> -> memref<1x128x128xf32, #tpu.memory_space<vmem>>
    %dma_start3A_320 = tpu.memref_squeeze %dma_start3A_319 : memref<1x128x128xf32, #tpu.memory_space<vmem>> -> memref<128x128xf32, #tpu.memory_space<vmem>>
    tpu.enqueue_dma source(%dma_start3A_320 : memref<128x128xf32, #tpu.memory_space<vmem>>) target(%dma_start3A_316 : memref<128x128xf32, #tpu.memory_space<hbm>>) target_semaphore(%arg12 : memref<!tpu.dma_semaphore, #tpu.memory_space<semaphore_mem>>)
    %dma_wait3A_321 = arith.constant 6 : i32
    %dma_wait3A_322 = arith.constant 2 : i32
    %dma_wait3A_323 = arith.constant 0 : i32
    %dma_wait3A_324 = arith.constant 0 : i32
    %dma_wait3A_325 = tpu.memref_slice %arg6[%dma_wait3A_322, %dma_wait3A_323, %dma_wait3A_324] : memref<4x128x128xf32, #tpu.memory_space<vmem>> -> memref<1x128x128xf32, #tpu.memory_space<vmem>>
    %dma_wait3A_326 = tpu.memref_squeeze %dma_wait3A_325 : memref<1x128x128xf32, #tpu.memory_space<vmem>> -> memref<128x128xf32, #tpu.memory_space<vmem>>
    %dma_wait3A_327 = arith.constant 0 : i32
    %dma_wait3A_328 = tpu.memref_slice %arg5[%dma_wait3A_321, %dma_wait3A_327] : memref<8x128xi32, #tpu.memory_space<vmem>> -> memref<1x128xi32, #tpu.memory_space<vmem>>
    %dma_wait3A_329 = tpu.memref_squeeze %dma_wait3A_328 : memref<1x128xi32, #tpu.memory_space<vmem>> -> memref<128xi32, #tpu.memory_space<vmem>>
    %dma_wait3A_330 = arith.constant 0 : i32
    %dma_wait3A_331 = arith.constant 0 : i32
    %dma_wait3A_332 = tpu.memref_slice %arg2[%dma_wait3A_330, %dma_wait3A_331] : memref<100000x128xf32, #tpu.memory_space<hbm>> -> memref<100000x128xf32, #tpu.memory_space<hbm>>
    tpu.wait_indirect_dma semaphore(%arg9 : memref<!tpu.dma_semaphore, #tpu.memory_space<semaphore_mem>>) src(%dma_wait3A_332 : memref<100000x128xf32, #tpu.memory_space<hbm>>) dst(%dma_wait3A_326 : memref<128x128xf32, #tpu.memory_space<vmem>>)
    %mul3A_333 = arith.constant 1024 : i32
    %mul3A_334 = arith.muli %add3A, %mul3A_333 : i32
    %add3A_335 = arith.constant 768 : i32
    %add3A_336 = arith.addi %mul3A_334, %add3A_335 : i32
    %dma_start3A_337 = arith.constant 2 : i32
    %dma_start3A_338 = arith.constant 0 : i32
    %dma_start3A_339 = arith.constant 0 : i32
    %dma_start3A_340 = tpu.memref_slice %arg6[%dma_start3A_337, %dma_start3A_338, %dma_start3A_339] : memref<4x128x128xf32, #tpu.memory_space<vmem>> -> memref<1x128x128xf32, #tpu.memory_space<vmem>>
    %dma_start3A_341 = tpu.memref_squeeze %dma_start3A_340 : memref<1x128x128xf32, #tpu.memory_space<vmem>> -> memref<128x128xf32, #tpu.memory_space<vmem>>
    %dma_start3A_342 = arith.constant 0 : i32
    %dma_start3A_343 = tpu.memref_slice %arg4[%add3A_336, %dma_start3A_342] : memref<32768x128xf32, #tpu.memory_space<hbm>> -> memref<128x128xf32, #tpu.memory_space<hbm>>
    %dma_start3A_344 = arith.constant 0 : i32
    %dma_start3A_345 = tpu.memref_slice %arg4[%add3A_336, %dma_start3A_344] : memref<32768x128xf32, #tpu.memory_space<hbm>> -> memref<128x128xf32, #tpu.memory_space<hbm>>
    %dma_start3A_346 = arith.constant 0 : i32
    %dma_start3A_347 = arith.constant 0 : i32
    %dma_start3A_348 = tpu.memref_slice %arg6[%dma_start3A_337, %dma_start3A_346, %dma_start3A_347] : memref<4x128x128xf32, #tpu.memory_space<vmem>> -> memref<1x128x128xf32, #tpu.memory_space<vmem>>
    %dma_start3A_349 = tpu.memref_squeeze %dma_start3A_348 : memref<1x128x128xf32, #tpu.memory_space<vmem>> -> memref<128x128xf32, #tpu.memory_space<vmem>>
    tpu.enqueue_dma source(%dma_start3A_349 : memref<128x128xf32, #tpu.memory_space<vmem>>) target(%dma_start3A_345 : memref<128x128xf32, #tpu.memory_space<hbm>>) target_semaphore(%arg13 : memref<!tpu.dma_semaphore, #tpu.memory_space<semaphore_mem>>)
    %dma_wait3A_350 = arith.constant 7 : i32
    %dma_wait3A_351 = arith.constant 3 : i32
    %dma_wait3A_352 = arith.constant 0 : i32
    %dma_wait3A_353 = arith.constant 0 : i32
    %dma_wait3A_354 = tpu.memref_slice %arg6[%dma_wait3A_351, %dma_wait3A_352, %dma_wait3A_353] : memref<4x128x128xf32, #tpu.memory_space<vmem>> -> memref<1x128x128xf32, #tpu.memory_space<vmem>>
    %dma_wait3A_355 = tpu.memref_squeeze %dma_wait3A_354 : memref<1x128x128xf32, #tpu.memory_space<vmem>> -> memref<128x128xf32, #tpu.memory_space<vmem>>
    %dma_wait3A_356 = arith.constant 0 : i32
    %dma_wait3A_357 = tpu.memref_slice %arg5[%dma_wait3A_350, %dma_wait3A_356] : memref<8x128xi32, #tpu.memory_space<vmem>> -> memref<1x128xi32, #tpu.memory_space<vmem>>
    %dma_wait3A_358 = tpu.memref_squeeze %dma_wait3A_357 : memref<1x128xi32, #tpu.memory_space<vmem>> -> memref<128xi32, #tpu.memory_space<vmem>>
    %dma_wait3A_359 = arith.constant 0 : i32
    %dma_wait3A_360 = arith.constant 0 : i32
    %dma_wait3A_361 = tpu.memref_slice %arg2[%dma_wait3A_359, %dma_wait3A_360] : memref<100000x128xf32, #tpu.memory_space<hbm>> -> memref<100000x128xf32, #tpu.memory_space<hbm>>
    tpu.wait_indirect_dma semaphore(%arg10 : memref<!tpu.dma_semaphore, #tpu.memory_space<semaphore_mem>>) src(%dma_wait3A_361 : memref<100000x128xf32, #tpu.memory_space<hbm>>) dst(%dma_wait3A_355 : memref<128x128xf32, #tpu.memory_space<vmem>>)
    %mul3A_362 = arith.constant 1024 : i32
    %mul3A_363 = arith.muli %add3A, %mul3A_362 : i32
    %add3A_364 = arith.constant 896 : i32
    %add3A_365 = arith.addi %mul3A_363, %add3A_364 : i32
    %dma_start3A_366 = arith.constant 3 : i32
    %dma_start3A_367 = arith.constant 0 : i32
    %dma_start3A_368 = arith.constant 0 : i32
    %dma_start3A_369 = tpu.memref_slice %arg6[%dma_start3A_366, %dma_start3A_367, %dma_start3A_368] : memref<4x128x128xf32, #tpu.memory_space<vmem>> -> memref<1x128x128xf32, #tpu.memory_space<vmem>>
    %dma_start3A_370 = tpu.memref_squeeze %dma_start3A_369 : memref<1x128x128xf32, #tpu.memory_space<vmem>> -> memref<128x128xf32, #tpu.memory_space<vmem>>
    %dma_start3A_371 = arith.constant 0 : i32
    %dma_start3A_372 = tpu.memref_slice %arg4[%add3A_365, %dma_start3A_371] : memref<32768x128xf32, #tpu.memory_space<hbm>> -> memref<128x128xf32, #tpu.memory_space<hbm>>
    %dma_start3A_373 = arith.constant 0 : i32
    %dma_start3A_374 = tpu.memref_slice %arg4[%add3A_365, %dma_start3A_373] : memref<32768x128xf32, #tpu.memory_space<hbm>> -> memref<128x128xf32, #tpu.memory_space<hbm>>
    %dma_start3A_375 = arith.constant 0 : i32
    %dma_start3A_376 = arith.constant 0 : i32
    %dma_start3A_377 = tpu.memref_slice %arg6[%dma_start3A_366, %dma_start3A_375, %dma_start3A_376] : memref<4x128x128xf32, #tpu.memory_space<vmem>> -> memref<1x128x128xf32, #tpu.memory_space<vmem>>
    %dma_start3A_378 = tpu.memref_squeeze %dma_start3A_377 : memref<1x128x128xf32, #tpu.memory_space<vmem>> -> memref<128x128xf32, #tpu.memory_space<vmem>>
    tpu.enqueue_dma source(%dma_start3A_378 : memref<128x128xf32, #tpu.memory_space<vmem>>) target(%dma_start3A_374 : memref<128x128xf32, #tpu.memory_space<hbm>>) target_semaphore(%arg14 : memref<!tpu.dma_semaphore, #tpu.memory_space<semaphore_mem>>)
    %dma_wait3A_379 = arith.constant 0 : i32
    %dma_wait3A_380 = arith.constant 0 : i32
    %dma_wait3A_381 = arith.constant 0 : i32
    %dma_wait3A_382 = tpu.memref_slice %arg6[%dma_wait3A_379, %dma_wait3A_380, %dma_wait3A_381] : memref<4x128x128xf32, #tpu.memory_space<vmem>> -> memref<1x128x128xf32, #tpu.memory_space<vmem>>
    %dma_wait3A_383 = tpu.memref_squeeze %dma_wait3A_382 : memref<1x128x128xf32, #tpu.memory_space<vmem>> -> memref<128x128xf32, #tpu.memory_space<vmem>>
    %dma_wait3A_384 = arith.constant 0 : i32
    %dma_wait3A_385 = tpu.memref_slice %arg4[%add3A_253, %dma_wait3A_384] : memref<32768x128xf32, #tpu.memory_space<hbm>> -> memref<128x128xf32, #tpu.memory_space<hbm>>
    %dma_wait3A_386 = arith.constant 0 : i32
    %dma_wait3A_387 = tpu.memref_slice %arg4[%add3A_253, %dma_wait3A_386] : memref<32768x128xf32, #tpu.memory_space<hbm>> -> memref<128x128xf32, #tpu.memory_space<hbm>>
    %dma_wait3A_388 = arith.constant 0 : i32
    %dma_wait3A_389 = arith.constant 0 : i32
    %dma_wait3A_390 = tpu.memref_slice %arg6[%dma_wait3A_379, %dma_wait3A_388, %dma_wait3A_389] : memref<4x128x128xf32, #tpu.memory_space<vmem>> -> memref<1x128x128xf32, #tpu.memory_space<vmem>>
    %dma_wait3A_391 = tpu.memref_squeeze %dma_wait3A_390 : memref<1x128x128xf32, #tpu.memory_space<vmem>> -> memref<128x128xf32, #tpu.memory_space<vmem>>
    tpu.wait_dma2 semaphore(%arg11 : memref<!tpu.dma_semaphore, #tpu.memory_space<semaphore_mem>>) src(%dma_wait3A_391 : memref<128x128xf32, #tpu.memory_space<vmem>>) dst(%dma_wait3A_387 : memref<128x128xf32, #tpu.memory_space<hbm>>)
    %dma_wait3A_392 = arith.constant 1 : i32
    %dma_wait3A_393 = arith.constant 0 : i32
    %dma_wait3A_394 = arith.constant 0 : i32
    %dma_wait3A_395 = tpu.memref_slice %arg6[%dma_wait3A_392, %dma_wait3A_393, %dma_wait3A_394] : memref<4x128x128xf32, #tpu.memory_space<vmem>> -> memref<1x128x128xf32, #tpu.memory_space<vmem>>
    %dma_wait3A_396 = tpu.memref_squeeze %dma_wait3A_395 : memref<1x128x128xf32, #tpu.memory_space<vmem>> -> memref<128x128xf32, #tpu.memory_space<vmem>>
    %dma_wait3A_397 = arith.constant 0 : i32
    %dma_wait3A_398 = tpu.memref_slice %arg4[%add3A_307, %dma_wait3A_397] : memref<32768x128xf32, #tpu.memory_space<hbm>> -> memref<128x128xf32, #tpu.memory_space<hbm>>
    %dma_wait3A_399 = arith.constant 0 : i32
    %dma_wait3A_400 = tpu.memref_slice %arg4[%add3A_307, %dma_wait3A_399] : memref<32768x128xf32, #tpu.memory_space<hbm>> -> memref<128x128xf32, #tpu.memory_space<hbm>>
    %dma_wait3A_401 = arith.constant 0 : i32
    %dma_wait3A_402 = arith.constant 0 : i32
    %dma_wait3A_403 = tpu.memref_slice %arg6[%dma_wait3A_392, %dma_wait3A_401, %dma_wait3A_402] : memref<4x128x128xf32, #tpu.memory_space<vmem>> -> memref<1x128x128xf32, #tpu.memory_space<vmem>>
    %dma_wait3A_404 = tpu.memref_squeeze %dma_wait3A_403 : memref<1x128x128xf32, #tpu.memory_space<vmem>> -> memref<128x128xf32, #tpu.memory_space<vmem>>
    tpu.wait_dma2 semaphore(%arg12 : memref<!tpu.dma_semaphore, #tpu.memory_space<semaphore_mem>>) src(%dma_wait3A_404 : memref<128x128xf32, #tpu.memory_space<vmem>>) dst(%dma_wait3A_400 : memref<128x128xf32, #tpu.memory_space<hbm>>)
    %dma_wait3A_405 = arith.constant 2 : i32
    %dma_wait3A_406 = arith.constant 0 : i32
    %dma_wait3A_407 = arith.constant 0 : i32
    %dma_wait3A_408 = tpu.memref_slice %arg6[%dma_wait3A_405, %dma_wait3A_406, %dma_wait3A_407] : memref<4x128x128xf32, #tpu.memory_space<vmem>> -> memref<1x128x128xf32, #tpu.memory_space<vmem>>
    %dma_wait3A_409 = tpu.memref_squeeze %dma_wait3A_408 : memref<1x128x128xf32, #tpu.memory_space<vmem>> -> memref<128x128xf32, #tpu.memory_space<vmem>>
    %dma_wait3A_410 = arith.constant 0 : i32
    %dma_wait3A_411 = tpu.memref_slice %arg4[%add3A_336, %dma_wait3A_410] : memref<32768x128xf32, #tpu.memory_space<hbm>> -> memref<128x128xf32, #tpu.memory_space<hbm>>
    %dma_wait3A_412 = arith.constant 0 : i32
    %dma_wait3A_413 = tpu.memref_slice %arg4[%add3A_336, %dma_wait3A_412] : memref<32768x128xf32, #tpu.memory_space<hbm>> -> memref<128x128xf32, #tpu.memory_space<hbm>>
    %dma_wait3A_414 = arith.constant 0 : i32
    %dma_wait3A_415 = arith.constant 0 : i32
    %dma_wait3A_416 = tpu.memref_slice %arg6[%dma_wait3A_405, %dma_wait3A_414, %dma_wait3A_415] : memref<4x128x128xf32, #tpu.memory_space<vmem>> -> memref<1x128x128xf32, #tpu.memory_space<vmem>>
    %dma_wait3A_417 = tpu.memref_squeeze %dma_wait3A_416 : memref<1x128x128xf32, #tpu.memory_space<vmem>> -> memref<128x128xf32, #tpu.memory_space<vmem>>
    tpu.wait_dma2 semaphore(%arg13 : memref<!tpu.dma_semaphore, #tpu.memory_space<semaphore_mem>>) src(%dma_wait3A_417 : memref<128x128xf32, #tpu.memory_space<vmem>>) dst(%dma_wait3A_413 : memref<128x128xf32, #tpu.memory_space<hbm>>)
    %dma_wait3A_418 = arith.constant 3 : i32
    %dma_wait3A_419 = arith.constant 0 : i32
    %dma_wait3A_420 = arith.constant 0 : i32
    %dma_wait3A_421 = tpu.memref_slice %arg6[%dma_wait3A_418, %dma_wait3A_419, %dma_wait3A_420] : memref<4x128x128xf32, #tpu.memory_space<vmem>> -> memref<1x128x128xf32, #tpu.memory_space<vmem>>
    %dma_wait3A_422 = tpu.memref_squeeze %dma_wait3A_421 : memref<1x128x128xf32, #tpu.memory_space<vmem>> -> memref<128x128xf32, #tpu.memory_space<vmem>>
    %dma_wait3A_423 = arith.constant 0 : i32
    %dma_wait3A_424 = tpu.memref_slice %arg4[%add3A_365, %dma_wait3A_423] : memref<32768x128xf32, #tpu.memory_space<hbm>> -> memref<128x128xf32, #tpu.memory_space<hbm>>
    %dma_wait3A_425 = arith.constant 0 : i32
    %dma_wait3A_426 = tpu.memref_slice %arg4[%add3A_365, %dma_wait3A_425] : memref<32768x128xf32, #tpu.memory_space<hbm>> -> memref<128x128xf32, #tpu.memory_space<hbm>>
    %dma_wait3A_427 = arith.constant 0 : i32
    %dma_wait3A_428 = arith.constant 0 : i32
    %dma_wait3A_429 = tpu.memref_slice %arg6[%dma_wait3A_418, %dma_wait3A_427, %dma_wait3A_428] : memref<4x128x128xf32, #tpu.memory_space<vmem>> -> memref<1x128x128xf32, #tpu.memory_space<vmem>>
    %dma_wait3A_430 = tpu.memref_squeeze %dma_wait3A_429 : memref<1x128x128xf32, #tpu.memory_space<vmem>> -> memref<128x128xf32, #tpu.memory_space<vmem>>
    tpu.wait_dma2 semaphore(%arg14 : memref<!tpu.dma_semaphore, #tpu.memory_space<semaphore_mem>>) src(%dma_wait3A_430 : memref<128x128xf32, #tpu.memory_space<vmem>>) dst(%dma_wait3A_426 : memref<128x128xf32, #tpu.memory_space<hbm>>)
    return
  }
}

module attributes {stable_mosaic.version = 14 : i64} {
  func.func @_small_body(%arg0: memref<64x256xf32, #tpu.memory_space<vmem>>, %arg1: memref<64x256xf32, #tpu.memory_space<vmem>>, %arg2: memref<256x256xf32, #tpu.memory_space<vmem>>, %arg3: memref<1024x128xf32, #tpu.memory_space<vmem>>, %arg4: memref<10x128xf32, #tpu.memory_space<vmem>>, %arg5: memref<4096x128xf32, #tpu.memory_space<vmem>>, %arg6: memref<64x128xf32, #tpu.memory_space<vmem>>, %arg7: memref<4096x1xf32, #tpu.memory_space<vmem>>) attributes {dimension_semantics = [], scalar_prefetch = 0 : i64, scratch_operands = 0 : i64, tpu.core_type = #tpu.core_type<tc>} {
    %get3A = arith.constant 0 : index
    %get3A_0 = arith.constant 0 : index
    %get3A_1 = vector.load %arg2[%get3A, %get3A_0] : memref<256x256xf32, #tpu.memory_space<vmem>>, vector<256x256xf32>
    %get3A_2 = arith.constant 0 : index
    %get3A_3 = arith.constant 0 : index
    %get3A_4 = vector.load %arg3[%get3A_2, %get3A_3] : memref<1024x128xf32, #tpu.memory_space<vmem>>, vector<1024x128xf32>
    %get3A_5 = arith.constant 0 : index
    %get3A_6 = arith.constant 0 : index
    %get3A_7 = vector.load %arg4[%get3A_5, %get3A_6] : memref<10x128xf32, #tpu.memory_space<vmem>>, vector<10x128xf32>
    %get3A_8 = arith.constant 0 : index
    %get3A_9 = arith.constant 0 : index
    %get3A_10 = vector.load %arg0[%get3A_8, %get3A_9] : memref<64x256xf32, #tpu.memory_space<vmem>>, vector<64x256xf32>
    %slice3A = vector.extract_strided_slice %get3A_1 {offsets = [0, 0], sizes = [128, 256], strides = [1, 1]} : vector<256x256xf32> to vector<128x256xf32>
    %dot_general3A = arith.constant dense<0.000000e+00> : vector<64x128xf32>
    %dot_general3A_11 = tpu.matmul %get3A_10, %slice3A, %dot_general3A {dimension_numbers = #tpu.dot_dimension_numbers<[1], [1], [0], [0], [0, 0, 1, 0], [], []>, transpose_lhs_hint = false} : vector<64x256xf32>, vector<128x256xf32>, vector<64x128xf32> -> vector<64x128xf32>
    %slice3A_12 = vector.extract_strided_slice %get3A_7 {offsets = [0, 0], sizes = [1, 128], strides = [1, 1]} : vector<10x128xf32> to vector<1x128xf32>
    %add3A = vector.broadcast %slice3A_12 : vector<1x128xf32> to vector<64x128xf32>
    %add3A_13 = arith.addf %dot_general3A_11, %add3A : vector<64x128xf32>
    %get3A_14 = arith.constant 0 : index
    %get3A_15 = arith.constant 0 : index
    %get3A_16 = vector.load %arg1[%get3A_14, %get3A_15] : memref<64x256xf32, #tpu.memory_space<vmem>>, vector<64x256xf32>
    %slice3A_17 = vector.extract_strided_slice %get3A_1 {offsets = [128, 0], sizes = [128, 256], strides = [1, 1]} : vector<256x256xf32> to vector<128x256xf32>
    %dot_general3A_18 = arith.constant dense<0.000000e+00> : vector<64x128xf32>
    %dot_general3A_19 = tpu.matmul %get3A_16, %slice3A_17, %dot_general3A_18 {dimension_numbers = #tpu.dot_dimension_numbers<[1], [1], [0], [0], [0, 0, 1, 0], [], []>, transpose_lhs_hint = false} : vector<64x256xf32>, vector<128x256xf32>, vector<64x128xf32> -> vector<64x128xf32>
    %slice3A_20 = vector.extract_strided_slice %get3A_7 {offsets = [1, 0], sizes = [1, 128], strides = [1, 1]} : vector<10x128xf32> to vector<1x128xf32>
    %add3A_21 = vector.broadcast %slice3A_20 : vector<1x128xf32> to vector<64x128xf32>
    %add3A_22 = arith.addf %dot_general3A_19, %add3A_21 : vector<64x128xf32>
    %slice3A_23 = vector.extract_strided_slice %get3A_4 {offsets = [0, 0], sizes = [128, 128], strides = [1, 1]} : vector<1024x128xf32> to vector<128x128xf32>
    %dot_general3A_24 = arith.constant dense<0.000000e+00> : vector<64x128xf32>
    %dot_general3A_25 = tpu.matmul %add3A_22, %slice3A_23, %dot_general3A_24 {dimension_numbers = #tpu.dot_dimension_numbers<[1], [1], [0], [0], [0, 0, 1, 0], [], []>, transpose_lhs_hint = false} : vector<64x128xf32>, vector<128x128xf32>, vector<64x128xf32> -> vector<64x128xf32>
    %slice3A_26 = vector.extract_strided_slice %get3A_7 {offsets = [2, 0], sizes = [1, 128], strides = [1, 1]} : vector<10x128xf32> to vector<1x128xf32>
    %add3A_27 = vector.broadcast %slice3A_26 : vector<1x128xf32> to vector<64x128xf32>
    %add3A_28 = arith.addf %dot_general3A_25, %add3A_27 : vector<64x128xf32>
    %slice3A_29 = vector.extract_strided_slice %get3A_4 {offsets = [128, 0], sizes = [128, 128], strides = [1, 1]} : vector<1024x128xf32> to vector<128x128xf32>
    %dot_general3A_30 = arith.constant dense<0.000000e+00> : vector<64x128xf32>
    %dot_general3A_31 = tpu.matmul %add3A_22, %slice3A_29, %dot_general3A_30 {dimension_numbers = #tpu.dot_dimension_numbers<[1], [1], [0], [0], [0, 0, 1, 0], [], []>, transpose_lhs_hint = false} : vector<64x128xf32>, vector<128x128xf32>, vector<64x128xf32> -> vector<64x128xf32>
    %slice3A_32 = vector.extract_strided_slice %get3A_7 {offsets = [3, 0], sizes = [1, 128], strides = [1, 1]} : vector<10x128xf32> to vector<1x128xf32>
    %add3A_33 = vector.broadcast %slice3A_32 : vector<1x128xf32> to vector<64x128xf32>
    %add3A_34 = arith.addf %dot_general3A_31, %add3A_33 : vector<64x128xf32>
    %slice3A_35 = vector.extract_strided_slice %get3A_4 {offsets = [256, 0], sizes = [128, 128], strides = [1, 1]} : vector<1024x128xf32> to vector<128x128xf32>
    %dot_general3A_36 = arith.constant dense<0.000000e+00> : vector<64x128xf32>
    %dot_general3A_37 = tpu.matmul %add3A_22, %slice3A_35, %dot_general3A_36 {dimension_numbers = #tpu.dot_dimension_numbers<[1], [1], [0], [0], [0, 0, 1, 0], [], []>, transpose_lhs_hint = false} : vector<64x128xf32>, vector<128x128xf32>, vector<64x128xf32> -> vector<64x128xf32>
    %slice3A_38 = vector.extract_strided_slice %get3A_7 {offsets = [4, 0], sizes = [1, 128], strides = [1, 1]} : vector<10x128xf32> to vector<1x128xf32>
    %add3A_39 = vector.broadcast %slice3A_38 : vector<1x128xf32> to vector<64x128xf32>
    %add3A_40 = arith.addf %dot_general3A_37, %add3A_39 : vector<64x128xf32>
    %slice3A_41 = vector.extract_strided_slice %get3A_4 {offsets = [384, 0], sizes = [128, 128], strides = [1, 1]} : vector<1024x128xf32> to vector<128x128xf32>
    %dot_general3A_42 = arith.constant dense<0.000000e+00> : vector<64x128xf32>
    %dot_general3A_43 = tpu.matmul %add3A_13, %slice3A_41, %dot_general3A_42 {dimension_numbers = #tpu.dot_dimension_numbers<[1], [1], [0], [0], [0, 0, 1, 0], [], []>, transpose_lhs_hint = false} : vector<64x128xf32>, vector<128x128xf32>, vector<64x128xf32> -> vector<64x128xf32>
    %slice3A_44 = vector.extract_strided_slice %get3A_7 {offsets = [5, 0], sizes = [1, 128], strides = [1, 1]} : vector<10x128xf32> to vector<1x128xf32>
    %add3A_45 = vector.broadcast %slice3A_44 : vector<1x128xf32> to vector<64x128xf32>
    %add3A_46 = arith.addf %dot_general3A_43, %add3A_45 : vector<64x128xf32>
    %swap3A = arith.constant 0 : index
    %swap3A_47 = arith.constant 0 : index
    %swap3A_48 = vector.load %arg6[%swap3A, %swap3A_47] : memref<64x128xf32, #tpu.memory_space<vmem>>, vector<64x128xf32>
    tpu.vector_store %arg6[%swap3A, %swap3A_47], %add3A_40 {strides = array<i32>} : memref<64x128xf32, #tpu.memory_space<vmem>>, vector<64x128xf32>,
    %broadcast_in_dim3A = vector.shape_cast %add3A_28 : vector<64x128xf32> to vector<1x64x128xf32>
    %broadcast_in_dim3A_49 = vector.shape_cast %add3A_34 : vector<64x128xf32> to vector<64x1x128xf32>
    %sub3A = vector.broadcast %broadcast_in_dim3A : vector<1x64x128xf32> to vector<64x64x128xf32>
    %sub3A_50 = vector.broadcast %broadcast_in_dim3A_49 : vector<64x1x128xf32> to vector<64x64x128xf32>
    %sub3A_51 = arith.subf %sub3A, %sub3A_50 : vector<64x64x128xf32>
    %max3A = arith.constant 0.000000e+00 : f32
    %max3A_52 = vector.broadcast %max3A : f32 to vector<64x64x128xf32>
    %max3A_53 = arith.maximumf %sub3A_51, %max3A_52 : vector<64x64x128xf32>
    %reshape3A = vector.shape_cast %max3A_53 : vector<64x64x128xf32> to vector<4096x128xf32>
    %slice3A_54 = vector.extract_strided_slice %get3A_4 {offsets = [512, 0], sizes = [128, 128], strides = [1, 1]} : vector<1024x128xf32> to vector<128x128xf32>
    %dot_general3A_55 = arith.constant dense<0.000000e+00> : vector<4096x128xf32>
    %dot_general3A_56 = tpu.matmul %reshape3A, %slice3A_54, %dot_general3A_55 {dimension_numbers = #tpu.dot_dimension_numbers<[1], [1], [0], [0], [0, 0, 1, 0], [], []>, transpose_lhs_hint = false} : vector<4096x128xf32>, vector<128x128xf32>, vector<4096x128xf32> -> vector<4096x128xf32>
    %slice3A_57 = vector.extract_strided_slice %get3A_7 {offsets = [6, 0], sizes = [1, 128], strides = [1, 1]} : vector<10x128xf32> to vector<1x128xf32>
    %add3A_58 = vector.broadcast %slice3A_57 : vector<1x128xf32> to vector<4096x128xf32>
    %add3A_59 = arith.addf %dot_general3A_56, %add3A_58 : vector<4096x128xf32>
    %slice3A_60 = vector.extract_strided_slice %get3A_4 {offsets = [768, 0], sizes = [128, 128], strides = [1, 1]} : vector<1024x128xf32> to vector<128x128xf32>
    %dot_general3A_61 = arith.constant dense<0.000000e+00> : vector<4096x128xf32>
    %dot_general3A_62 = tpu.matmul %add3A_59, %slice3A_60, %dot_general3A_61 {dimension_numbers = #tpu.dot_dimension_numbers<[1], [1], [0], [0], [0, 0, 1, 0], [], []>, transpose_lhs_hint = false} : vector<4096x128xf32>, vector<128x128xf32>, vector<4096x128xf32> -> vector<4096x128xf32>
    %slice3A_63 = vector.extract_strided_slice %get3A_7 {offsets = [8, 0], sizes = [1, 128], strides = [1, 1]} : vector<10x128xf32> to vector<1x128xf32>
    %add3A_64 = vector.broadcast %slice3A_63 : vector<1x128xf32> to vector<4096x128xf32>
    %add3A_65 = arith.addf %dot_general3A_62, %add3A_64 : vector<4096x128xf32>
    %mul3A = arith.mulf %add3A_65, %add3A_65 : vector<4096x128xf32>
    %reduce_sum3A = arith.constant dense<0.000000e+00> : vector<4096xf32>
    %reduce_sum3A_66 = vector.multi_reduction <add>, %mul3A, %reduce_sum3A [1] : vector<4096x128xf32> to vector<4096xf32>
    %broadcast_in_dim3A_67 = vector.shape_cast %reduce_sum3A_66 : vector<4096xf32> to vector<4096x1xf32>
    %sqrt3A = math.sqrt %broadcast_in_dim3A_67 : vector<4096x1xf32>
    %div3A = vector.broadcast %sqrt3A : vector<4096x1xf32> to vector<4096x128xf32>
    %div3A_68 = arith.divf %add3A_65, %div3A : vector<4096x128xf32>
    %swap3A_69 = arith.constant 0 : index
    %swap3A_70 = arith.constant 0 : index
    %swap3A_71 = vector.load %arg5[%swap3A_69, %swap3A_70] : memref<4096x128xf32, #tpu.memory_space<vmem>>, vector<4096x128xf32>
    tpu.vector_store %arg5[%swap3A_69, %swap3A_70], %div3A_68 {strides = array<i32>} : memref<4096x128xf32, #tpu.memory_space<vmem>>, vector<4096x128xf32>,
    %broadcast_in_dim3A_72 = vector.shape_cast %add3A_40 : vector<64x128xf32> to vector<1x64x128xf32>
    %broadcast_in_dim3A_73 = vector.shape_cast %add3A_46 : vector<64x128xf32> to vector<64x1x128xf32>
    %sub3A_74 = vector.broadcast %broadcast_in_dim3A_72 : vector<1x64x128xf32> to vector<64x64x128xf32>
    %sub3A_75 = vector.broadcast %broadcast_in_dim3A_73 : vector<64x1x128xf32> to vector<64x64x128xf32>
    %sub3A_76 = arith.subf %sub3A_74, %sub3A_75 : vector<64x64x128xf32>
    %max3A_77 = arith.constant 0.000000e+00 : f32
    %max3A_78 = vector.broadcast %max3A_77 : f32 to vector<64x64x128xf32>
    %max3A_79 = arith.maximumf %sub3A_76, %max3A_78 : vector<64x64x128xf32>
    %reshape3A_80 = vector.shape_cast %max3A_79 : vector<64x64x128xf32> to vector<4096x128xf32>
    %slice3A_81 = vector.extract_strided_slice %get3A_4 {offsets = [640, 0], sizes = [128, 128], strides = [1, 1]} : vector<1024x128xf32> to vector<128x128xf32>
    %dot_general3A_82 = arith.constant dense<0.000000e+00> : vector<4096x128xf32>
    %dot_general3A_83 = tpu.matmul %reshape3A_80, %slice3A_81, %dot_general3A_82 {dimension_numbers = #tpu.dot_dimension_numbers<[1], [1], [0], [0], [0, 0, 1, 0], [], []>, transpose_lhs_hint = false} : vector<4096x128xf32>, vector<128x128xf32>, vector<4096x128xf32> -> vector<4096x128xf32>
    %slice3A_84 = vector.extract_strided_slice %get3A_7 {offsets = [7, 0], sizes = [1, 128], strides = [1, 1]} : vector<10x128xf32> to vector<1x128xf32>
    %add3A_85 = vector.broadcast %slice3A_84 : vector<1x128xf32> to vector<4096x128xf32>
    %add3A_86 = arith.addf %dot_general3A_83, %add3A_85 : vector<4096x128xf32>
    %slice3A_87 = vector.extract_strided_slice %get3A_4 {offsets = [896, 0], sizes = [128, 128], strides = [1, 1]} : vector<1024x128xf32> to vector<128x128xf32>
    %dot_general3A_88 = arith.constant dense<0.000000e+00> : vector<4096x128xf32>
    %dot_general3A_89 = tpu.matmul %add3A_86, %slice3A_87, %dot_general3A_88 {dimension_numbers = #tpu.dot_dimension_numbers<[1], [1], [0], [0], [0, 0, 1, 0], [], []>, transpose_lhs_hint = false} : vector<4096x128xf32>, vector<128x128xf32>, vector<4096x128xf32> -> vector<4096x128xf32>
    %slice3A_90 = vector.extract_strided_slice %get3A_7 {offsets = [9, 0], sizes = [1, 128], strides = [1, 1]} : vector<10x128xf32> to vector<1x128xf32>
    %add3A_91 = vector.broadcast %slice3A_90 : vector<1x128xf32> to vector<4096x128xf32>
    %add3A_92 = arith.addf %dot_general3A_89, %add3A_91 : vector<4096x128xf32>
    %mul3A_93 = arith.mulf %add3A_92, %add3A_92 : vector<4096x128xf32>
    %reduce_sum3A_94 = arith.constant dense<0.000000e+00> : vector<4096xf32>
    %reduce_sum3A_95 = vector.multi_reduction <add>, %mul3A_93, %reduce_sum3A_94 [1] : vector<4096x128xf32> to vector<4096xf32>
    %broadcast_in_dim3A_96 = vector.shape_cast %reduce_sum3A_95 : vector<4096xf32> to vector<4096x1xf32>
    %sqrt3A_97 = math.sqrt %broadcast_in_dim3A_96 : vector<4096x1xf32>
    %div3A_98 = vector.broadcast %sqrt3A_97 : vector<4096x1xf32> to vector<4096x128xf32>
    %div3A_99 = arith.divf %add3A_92, %div3A_98 : vector<4096x128xf32>
    %mul3A_100 = arith.mulf %div3A_68, %div3A_99 : vector<4096x128xf32>
    %reduce_sum3A_101 = arith.constant dense<0.000000e+00> : vector<4096xf32>
    %reduce_sum3A_102 = vector.multi_reduction <add>, %mul3A_100, %reduce_sum3A_101 [1] : vector<4096x128xf32> to vector<4096xf32>
    %broadcast_in_dim3A_103 = vector.shape_cast %reduce_sum3A_102 : vector<4096xf32> to vector<4096x1xf32>
    %swap3A_104 = arith.constant 0 : index
    %swap3A_105 = arith.constant 0 : index
    %swap3A_106 = vector.load %arg7[%swap3A_104, %swap3A_105] : memref<4096x1xf32, #tpu.memory_space<vmem>>, vector<4096x1xf32>
    tpu.vector_store %arg7[%swap3A_104, %swap3A_105], %broadcast_in_dim3A_103 {strides = array<i32>} : memref<4096x1xf32, #tpu.memory_space<vmem>>, vector<4096x1xf32>,
    return
  }
}

module attributes {stable_mosaic.version = 14 : i64} {
  func.func @_neg_body_nodst(%arg0: i32, %arg1: memref<1x8192x128xf32, #tpu.memory_space<vmem>>, %arg2: memref<1x512x128xf32, #tpu.memory_space<vmem>>, %arg3: memref<64x128xf32, #tpu.memory_space<vmem>>, %arg4: memref<1x512x1xf32, #tpu.memory_space<vmem>>, %arg5: memref<1024x128xf32, #tpu.memory_space<vmem>>, %arg6: memref<10x128xf32, #tpu.memory_space<vmem>>, %arg7: memref<1x512x17xf32, #tpu.memory_space<vmem>>) attributes {dimension_semantics = [#tpu.dimension_semantics<arbitrary>], iteration_bounds = array<i64: 4>, scalar_prefetch = 0 : i64, scratch_operands = 0 : i64, tpu.core_type = #tpu.core_type<tc>, window_params = [{transform_indices = @transform_0, window_bounds = array<i64: 1, 8192, 128>}, {transform_indices = @transform_1, window_bounds = array<i64: 1, 512, 128>}, {pipeline_mode = #tpu.pipeline_mode<synchronous>, transform_indices = @transform_2, window_bounds = array<i64: 64, 128>}, {transform_indices = @transform_3, window_bounds = array<i64: 1, 512, 1>}, {pipeline_mode = #tpu.pipeline_mode<synchronous>, transform_indices = @transform_4, window_bounds = array<i64: 1024, 128>}, {pipeline_mode = #tpu.pipeline_mode<synchronous>, transform_indices = @transform_5, window_bounds = array<i64: 10, 128>}, {transform_indices = @transform_6, window_bounds = array<i64: 1, 512, 17>}]} {
    %get3A = arith.constant 0 : index
    %get3A_0 = arith.constant 0 : index
    %get3A_1 = vector.load %arg5[%get3A, %get3A_0] : memref<1024x128xf32, #tpu.memory_space<vmem>>, vector<1024x128xf32>
    %get3A_2 = arith.constant 0 : index
    %get3A_3 = arith.constant 0 : index
    %get3A_4 = vector.load %arg6[%get3A_2, %get3A_3] : memref<10x128xf32, #tpu.memory_space<vmem>>, vector<10x128xf32>
    %get3A_5 = arith.constant 0 : index
    %get3A_6 = arith.constant 0 : index
    %get3A_7 = vector.load %arg3[%get3A_5, %get3A_6] : memref<64x128xf32, #tpu.memory_space<vmem>>, vector<64x128xf32>
    %get3A_8 = arith.constant 0 : index
    %get3A_9 = arith.constant 0 : index
    %get3A_10 = arith.constant 0 : index
    %get3A_11 = vector.load %arg2[%get3A_8, %get3A_9, %get3A_10] : memref<1x512x128xf32, #tpu.memory_space<vmem>>, vector<1x512x128xf32>
    %get3A_12 = vector.shape_cast %get3A_11 : vector<1x512x128xf32> to vector<512x128xf32>
    %get3A_13 = arith.constant 0 : index
    %get3A_14 = arith.constant 0 : index
    %get3A_15 = arith.constant 0 : index
    %get3A_16 = vector.load %arg4[%get3A_13, %get3A_14, %get3A_15] : memref<1x512x1xf32, #tpu.memory_space<vmem>>, vector<1x512x1xf32>
    %get3A_17 = vector.shape_cast %get3A_16 : vector<1x512x1xf32> to vector<512x1xf32>
    %slice3A = vector.extract_strided_slice %get3A_1 {offsets = [384, 0], sizes = [128, 128], strides = [1, 1]} : vector<1024x128xf32> to vector<128x128xf32>
    %slice3A_18 = vector.extract_strided_slice %get3A_1 {offsets = [640, 0], sizes = [128, 128], strides = [1, 1]} : vector<1024x128xf32> to vector<128x128xf32>
    %slice3A_19 = vector.extract_strided_slice %get3A_1 {offsets = [896, 0], sizes = [128, 128], strides = [1, 1]} : vector<1024x128xf32> to vector<128x128xf32>
    %slice3A_20 = vector.extract_strided_slice %get3A_4 {offsets = [5, 0], sizes = [1, 128], strides = [1, 1]} : vector<10x128xf32> to vector<1x128xf32>
    %slice3A_21 = vector.extract_strided_slice %get3A_4 {offsets = [7, 0], sizes = [1, 128], strides = [1, 1]} : vector<10x128xf32> to vector<1x128xf32>
    %slice3A_22 = vector.extract_strided_slice %get3A_4 {offsets = [9, 0], sizes = [1, 128], strides = [1, 1]} : vector<10x128xf32> to vector<1x128xf32>
    %get3A_23 = arith.constant 0 : index
    %get3A_24 = arith.constant 0 : index
    %get3A_25 = arith.constant 0 : index
    %get3A_26 = vector.load %arg1[%get3A_23, %get3A_24, %get3A_25] : memref<1x8192x128xf32, #tpu.memory_space<vmem>>, vector<1x8192x128xf32>
    %get3A_27 = vector.shape_cast %get3A_26 : vector<1x8192x128xf32> to vector<8192x128xf32>
    %dot_general3A = arith.constant dense<0.000000e+00> : vector<8192x128xf32>
    %dot_general3A_28 = tpu.matmul %get3A_27, %slice3A, %dot_general3A {dimension_numbers = #tpu.dot_dimension_numbers<[1], [1], [0], [0], [0, 0, 1, 0], [], []>, transpose_lhs_hint = false} : vector<8192x128xf32>, vector<128x128xf32>, vector<8192x128xf32> -> vector<8192x128xf32>
    %add3A = vector.broadcast %slice3A_20 : vector<1x128xf32> to vector<8192x128xf32>
    %add3A_29 = arith.addf %dot_general3A_28, %add3A : vector<8192x128xf32>
    %reshape3A = vector.shape_cast %add3A_29 : vector<8192x128xf32> to vector<512x16x128xf32>
    %concatenate3A = tpu.concatenate %get3A_7, %get3A_7, %get3A_7, %get3A_7, %get3A_7, %get3A_7, %get3A_7, %get3A_7 in 0 : vector<64x128xf32>, vector<64x128xf32>, vector<64x128xf32>, vector<64x128xf32>, vector<64x128xf32>, vector<64x128xf32>, vector<64x128xf32>, vector<64x128xf32> -> vector<512x128xf32>
    %broadcast_in_dim3A = vector.shape_cast %concatenate3A : vector<512x128xf32> to vector<512x1x128xf32>
    %sub3A = vector.broadcast %broadcast_in_dim3A : vector<512x1x128xf32> to vector<512x16x128xf32>
    %sub3A_30 = arith.subf %sub3A, %reshape3A : vector<512x16x128xf32>
    %max3A = arith.constant 0.000000e+00 : f32
    %max3A_31 = vector.broadcast %max3A : f32 to vector<512x16x128xf32>
    %max3A_32 = arith.maximumf %sub3A_30, %max3A_31 : vector<512x16x128xf32>
    %reshape3A_33 = vector.shape_cast %max3A_32 : vector<512x16x128xf32> to vector<8192x128xf32>
    %dot_general3A_34 = arith.constant dense<0.000000e+00> : vector<8192x128xf32>
    %dot_general3A_35 = tpu.matmul %reshape3A_33, %slice3A_18, %dot_general3A_34 {dimension_numbers = #tpu.dot_dimension_numbers<[1], [1], [0], [0], [0, 0, 1, 0], [], []>, transpose_lhs_hint = false} : vector<8192x128xf32>, vector<128x128xf32>, vector<8192x128xf32> -> vector<8192x128xf32>
    %add3A_36 = vector.broadcast %slice3A_21 : vector<1x128xf32> to vector<8192x128xf32>
    %add3A_37 = arith.addf %dot_general3A_35, %add3A_36 : vector<8192x128xf32>
    %dot_general3A_38 = arith.constant dense<0.000000e+00> : vector<8192x128xf32>
    %dot_general3A_39 = tpu.matmul %add3A_37, %slice3A_19, %dot_general3A_38 {dimension_numbers = #tpu.dot_dimension_numbers<[1], [1], [0], [0], [0, 0, 1, 0], [], []>, transpose_lhs_hint = false} : vector<8192x128xf32>, vector<128x128xf32>, vector<8192x128xf32> -> vector<8192x128xf32>
    %add3A_40 = vector.broadcast %slice3A_22 : vector<1x128xf32> to vector<8192x128xf32>
    %add3A_41 = arith.addf %dot_general3A_39, %add3A_40 : vector<8192x128xf32>
    %reshape3A_42 = vector.shape_cast %add3A_41 : vector<8192x128xf32> to vector<512x16x128xf32>
    %broadcast_in_dim3A_43 = vector.shape_cast %get3A_12 : vector<512x128xf32> to vector<512x1x128xf32>
    %mul3A = vector.broadcast %broadcast_in_dim3A_43 : vector<512x1x128xf32> to vector<512x16x128xf32>
    %mul3A_44 = arith.mulf %reshape3A_42, %mul3A : vector<512x16x128xf32>
    %reduce_sum3A = arith.constant dense<0.000000e+00> : vector<512x16xf32>
    %reduce_sum3A_45 = vector.multi_reduction <add>, %mul3A_44, %reduce_sum3A [2] : vector<512x16x128xf32> to vector<512x16xf32>
    %mul3A_46 = arith.mulf %reshape3A_42, %reshape3A_42 : vector<512x16x128xf32>
    %reduce_sum3A_47 = arith.constant dense<0.000000e+00> : vector<512x16xf32>
    %reduce_sum3A_48 = vector.multi_reduction <add>, %mul3A_46, %reduce_sum3A_47 [2] : vector<512x16x128xf32> to vector<512x16xf32>
    %rsqrt3A = math.rsqrt %reduce_sum3A_48 : vector<512x16xf32>
    %mul3A_49 = arith.mulf %reduce_sum3A_45, %rsqrt3A : vector<512x16xf32>
    %div3A = arith.constant 7.000000e-02 : f32
    %div3A_50 = vector.broadcast %div3A : f32 to vector<512x1xf32>
    %div3A_51 = arith.divf %get3A_17, %div3A_50 : vector<512x1xf32>
    %sub3A_52 = arith.constant 14.2857141 : f32
    %sub3A_53 = vector.broadcast %sub3A_52 : f32 to vector<512x1xf32>
    %sub3A_54 = arith.subf %div3A_51, %sub3A_53 : vector<512x1xf32>
    %exp3A = math.exp %sub3A_54 : vector<512x1xf32>
    %div3A_55 = arith.constant 7.000000e-02 : f32
    %div3A_56 = vector.broadcast %div3A_55 : f32 to vector<512x16xf32>
    %div3A_57 = arith.divf %mul3A_49, %div3A_56 : vector<512x16xf32>
    %sub3A_58 = arith.constant 14.2857141 : f32
    %sub3A_59 = vector.broadcast %sub3A_58 : f32 to vector<512x16xf32>
    %sub3A_60 = arith.subf %div3A_57, %sub3A_59 : vector<512x16xf32>
    %exp3A_61 = math.exp %sub3A_60 : vector<512x16xf32>
    %concatenate3A_62 = tpu.concatenate %exp3A, %exp3A_61 in 1 : vector<512x1xf32>, vector<512x16xf32> -> vector<512x17xf32>
    %swap3A = arith.constant 0 : index
    %swap3A_63 = arith.constant 0 : index
    %swap3A_64 = arith.constant 0 : index
    %swap3A_65 = vector.load %arg7[%swap3A, %swap3A_63, %swap3A_64] : memref<1x512x17xf32, #tpu.memory_space<vmem>>, vector<1x512x17xf32>
    %swap3A_66 = vector.shape_cast %swap3A_65 : vector<1x512x17xf32> to vector<512x17xf32>
    %swap3A_67 = vector.shape_cast %concatenate3A_62 : vector<512x17xf32> to vector<1x512x17xf32>
    tpu.vector_store %arg7[%swap3A, %swap3A_63, %swap3A_64], %swap3A_67 {strides = array<i32>} : memref<1x512x17xf32, #tpu.memory_space<vmem>>, vector<1x512x17xf32>,
    return
  }
  func.func @transform_0(%arg0: i32) -> (i32, i32, i32) {
    %c0_i32 = arith.constant 0 : i32
    %c0_i32_0 = arith.constant 0 : i32
    %c0_i32_1 = arith.constant 0 : i32
    return %arg0, %c0_i32, %c0_i32_0 : i32, i32, i32
  }
  func.func @transform_1(%arg0: i32) -> (i32, i32, i32) {
    %add3A = arith.constant 0 : i32
    %add3A_0 = arith.addi %add3A, %arg0 : i32
    %c0_i32 = arith.constant 0 : i32
    %c0_i32_1 = arith.constant 0 : i32
    %c0_i32_2 = arith.constant 0 : i32
    return %add3A_0, %c0_i32, %c0_i32_1 : i32, i32, i32
  }
  func.func @transform_2(%arg0: i32) -> (i32, i32) {
    %c0_i32 = arith.constant 0 : i32
    %c0_i32_0 = arith.constant 0 : i32
    %c0_i32_1 = arith.constant 0 : i32
    return %c0_i32, %c0_i32_0 : i32, i32
  }
  func.func @transform_3(%arg0: i32) -> (i32, i32, i32) {
    %add3A = arith.constant 0 : i32
    %add3A_0 = arith.addi %add3A, %arg0 : i32
    %c0_i32 = arith.constant 0 : i32
    %c0_i32_1 = arith.constant 0 : i32
    %c0_i32_2 = arith.constant 0 : i32
    return %add3A_0, %c0_i32, %c0_i32_1 : i32, i32, i32
  }
  func.func @transform_4(%arg0: i32) -> (i32, i32) {
    %c0_i32 = arith.constant 0 : i32
    %c0_i32_0 = arith.constant 0 : i32
    %c0_i32_1 = arith.constant 0 : i32
    return %c0_i32, %c0_i32_0 : i32, i32
  }
  func.func @transform_5(%arg0: i32) -> (i32, i32) {
    %c0_i32 = arith.constant 0 : i32
    %c0_i32_0 = arith.constant 0 : i32
    %c0_i32_1 = arith.constant 0 : i32
    return %c0_i32, %c0_i32_0 : i32, i32
  }
  func.func @transform_6(%arg0: i32) -> (i32, i32, i32) {
    %add3A = arith.constant 0 : i32
    %add3A_0 = arith.addi %add3A, %arg0 : i32
    %c0_i32 = arith.constant 0 : i32
    %c0_i32_1 = arith.constant 0 : i32
    %c0_i32_2 = arith.constant 0 : i32
    return %add3A_0, %c0_i32, %c0_i32_1 : i32, i32, i32
  }
}

module attributes {stable_mosaic.version = 14 : i64} {
  func.func @_neg_body_dst(%arg0: i32, %arg1: memref<1x8192x128xf32, #tpu.memory_space<vmem>>, %arg2: memref<1x512x128xf32, #tpu.memory_space<vmem>>, %arg3: memref<64x128xf32, #tpu.memory_space<vmem>>, %arg4: memref<1x512x1xf32, #tpu.memory_space<vmem>>, %arg5: memref<1024x128xf32, #tpu.memory_space<vmem>>, %arg6: memref<10x128xf32, #tpu.memory_space<vmem>>, %arg7: memref<1x512x17xf32, #tpu.memory_space<vmem>>, %arg8: memref<1x512x17xf32, #tpu.memory_space<vmem>>) attributes {dimension_semantics = [#tpu.dimension_semantics<arbitrary>], iteration_bounds = array<i64: 4>, scalar_prefetch = 0 : i64, scratch_operands = 0 : i64, tpu.core_type = #tpu.core_type<tc>, window_params = [{transform_indices = @transform_0, window_bounds = array<i64: 1, 8192, 128>}, {transform_indices = @transform_1, window_bounds = array<i64: 1, 512, 128>}, {pipeline_mode = #tpu.pipeline_mode<synchronous>, transform_indices = @transform_2, window_bounds = array<i64: 64, 128>}, {transform_indices = @transform_3, window_bounds = array<i64: 1, 512, 1>}, {pipeline_mode = #tpu.pipeline_mode<synchronous>, transform_indices = @transform_4, window_bounds = array<i64: 1024, 128>}, {pipeline_mode = #tpu.pipeline_mode<synchronous>, transform_indices = @transform_5, window_bounds = array<i64: 10, 128>}, {transform_indices = @transform_6, window_bounds = array<i64: 1, 512, 17>}, {transform_indices = @transform_7, window_bounds = array<i64: 1, 512, 17>}]} {
    %get3A = arith.constant 0 : index
    %get3A_0 = arith.constant 0 : index
    %get3A_1 = vector.load %arg5[%get3A, %get3A_0] : memref<1024x128xf32, #tpu.memory_space<vmem>>, vector<1024x128xf32>
    %get3A_2 = arith.constant 0 : index
    %get3A_3 = arith.constant 0 : index
    %get3A_4 = vector.load %arg6[%get3A_2, %get3A_3] : memref<10x128xf32, #tpu.memory_space<vmem>>, vector<10x128xf32>
    %get3A_5 = arith.constant 0 : index
    %get3A_6 = arith.constant 0 : index
    %get3A_7 = vector.load %arg3[%get3A_5, %get3A_6] : memref<64x128xf32, #tpu.memory_space<vmem>>, vector<64x128xf32>
    %get3A_8 = arith.constant 0 : index
    %get3A_9 = arith.constant 0 : index
    %get3A_10 = arith.constant 0 : index
    %get3A_11 = vector.load %arg2[%get3A_8, %get3A_9, %get3A_10] : memref<1x512x128xf32, #tpu.memory_space<vmem>>, vector<1x512x128xf32>
    %get3A_12 = vector.shape_cast %get3A_11 : vector<1x512x128xf32> to vector<512x128xf32>
    %get3A_13 = arith.constant 0 : index
    %get3A_14 = arith.constant 0 : index
    %get3A_15 = arith.constant 0 : index
    %get3A_16 = vector.load %arg4[%get3A_13, %get3A_14, %get3A_15] : memref<1x512x1xf32, #tpu.memory_space<vmem>>, vector<1x512x1xf32>
    %get3A_17 = vector.shape_cast %get3A_16 : vector<1x512x1xf32> to vector<512x1xf32>
    %slice3A = vector.extract_strided_slice %get3A_1 {offsets = [384, 0], sizes = [128, 128], strides = [1, 1]} : vector<1024x128xf32> to vector<128x128xf32>
    %slice3A_18 = vector.extract_strided_slice %get3A_1 {offsets = [640, 0], sizes = [128, 128], strides = [1, 1]} : vector<1024x128xf32> to vector<128x128xf32>
    %slice3A_19 = vector.extract_strided_slice %get3A_1 {offsets = [896, 0], sizes = [128, 128], strides = [1, 1]} : vector<1024x128xf32> to vector<128x128xf32>
    %slice3A_20 = vector.extract_strided_slice %get3A_4 {offsets = [5, 0], sizes = [1, 128], strides = [1, 1]} : vector<10x128xf32> to vector<1x128xf32>
    %slice3A_21 = vector.extract_strided_slice %get3A_4 {offsets = [7, 0], sizes = [1, 128], strides = [1, 1]} : vector<10x128xf32> to vector<1x128xf32>
    %slice3A_22 = vector.extract_strided_slice %get3A_4 {offsets = [9, 0], sizes = [1, 128], strides = [1, 1]} : vector<10x128xf32> to vector<1x128xf32>
    %get3A_23 = arith.constant 0 : index
    %get3A_24 = arith.constant 0 : index
    %get3A_25 = arith.constant 0 : index
    %get3A_26 = vector.load %arg1[%get3A_23, %get3A_24, %get3A_25] : memref<1x8192x128xf32, #tpu.memory_space<vmem>>, vector<1x8192x128xf32>
    %get3A_27 = vector.shape_cast %get3A_26 : vector<1x8192x128xf32> to vector<8192x128xf32>
    %dot_general3A = arith.constant dense<0.000000e+00> : vector<8192x128xf32>
    %dot_general3A_28 = tpu.matmul %get3A_27, %slice3A, %dot_general3A {dimension_numbers = #tpu.dot_dimension_numbers<[1], [1], [0], [0], [0, 0, 1, 0], [], []>, transpose_lhs_hint = false} : vector<8192x128xf32>, vector<128x128xf32>, vector<8192x128xf32> -> vector<8192x128xf32>
    %add3A = vector.broadcast %slice3A_20 : vector<1x128xf32> to vector<8192x128xf32>
    %add3A_29 = arith.addf %dot_general3A_28, %add3A : vector<8192x128xf32>
    %reshape3A = vector.shape_cast %add3A_29 : vector<8192x128xf32> to vector<512x16x128xf32>
    %concatenate3A = tpu.concatenate %get3A_7, %get3A_7, %get3A_7, %get3A_7, %get3A_7, %get3A_7, %get3A_7, %get3A_7 in 0 : vector<64x128xf32>, vector<64x128xf32>, vector<64x128xf32>, vector<64x128xf32>, vector<64x128xf32>, vector<64x128xf32>, vector<64x128xf32>, vector<64x128xf32> -> vector<512x128xf32>
    %broadcast_in_dim3A = vector.shape_cast %concatenate3A : vector<512x128xf32> to vector<512x1x128xf32>
    %sub3A = vector.broadcast %broadcast_in_dim3A : vector<512x1x128xf32> to vector<512x16x128xf32>
    %sub3A_30 = arith.subf %sub3A, %reshape3A : vector<512x16x128xf32>
    %max3A = arith.constant 0.000000e+00 : f32
    %max3A_31 = vector.broadcast %max3A : f32 to vector<512x16x128xf32>
    %max3A_32 = arith.maximumf %sub3A_30, %max3A_31 : vector<512x16x128xf32>
    %reshape3A_33 = vector.shape_cast %max3A_32 : vector<512x16x128xf32> to vector<8192x128xf32>
    %dot_general3A_34 = arith.constant dense<0.000000e+00> : vector<8192x128xf32>
    %dot_general3A_35 = tpu.matmul %reshape3A_33, %slice3A_18, %dot_general3A_34 {dimension_numbers = #tpu.dot_dimension_numbers<[1], [1], [0], [0], [0, 0, 1, 0], [], []>, transpose_lhs_hint = false} : vector<8192x128xf32>, vector<128x128xf32>, vector<8192x128xf32> -> vector<8192x128xf32>
    %add3A_36 = vector.broadcast %slice3A_21 : vector<1x128xf32> to vector<8192x128xf32>
    %add3A_37 = arith.addf %dot_general3A_35, %add3A_36 : vector<8192x128xf32>
    %dot_general3A_38 = arith.constant dense<0.000000e+00> : vector<8192x128xf32>
    %dot_general3A_39 = tpu.matmul %add3A_37, %slice3A_19, %dot_general3A_38 {dimension_numbers = #tpu.dot_dimension_numbers<[1], [1], [0], [0], [0, 0, 1, 0], [], []>, transpose_lhs_hint = false} : vector<8192x128xf32>, vector<128x128xf32>, vector<8192x128xf32> -> vector<8192x128xf32>
    %add3A_40 = vector.broadcast %slice3A_22 : vector<1x128xf32> to vector<8192x128xf32>
    %add3A_41 = arith.addf %dot_general3A_39, %add3A_40 : vector<8192x128xf32>
    %reshape3A_42 = vector.shape_cast %add3A_41 : vector<8192x128xf32> to vector<512x16x128xf32>
    %broadcast_in_dim3A_43 = vector.shape_cast %get3A_12 : vector<512x128xf32> to vector<512x1x128xf32>
    %mul3A = vector.broadcast %broadcast_in_dim3A_43 : vector<512x1x128xf32> to vector<512x16x128xf32>
    %mul3A_44 = arith.mulf %reshape3A_42, %mul3A : vector<512x16x128xf32>
    %reduce_sum3A = arith.constant dense<0.000000e+00> : vector<512x16xf32>
    %reduce_sum3A_45 = vector.multi_reduction <add>, %mul3A_44, %reduce_sum3A [2] : vector<512x16x128xf32> to vector<512x16xf32>
    %mul3A_46 = arith.mulf %reshape3A_42, %reshape3A_42 : vector<512x16x128xf32>
    %reduce_sum3A_47 = arith.constant dense<0.000000e+00> : vector<512x16xf32>
    %reduce_sum3A_48 = vector.multi_reduction <add>, %mul3A_46, %reduce_sum3A_47 [2] : vector<512x16x128xf32> to vector<512x16xf32>
    %rsqrt3A = math.rsqrt %reduce_sum3A_48 : vector<512x16xf32>
    %mul3A_49 = arith.mulf %reduce_sum3A_45, %rsqrt3A : vector<512x16xf32>
    %div3A = arith.constant 7.000000e-02 : f32
    %div3A_50 = vector.broadcast %div3A : f32 to vector<512x1xf32>
    %div3A_51 = arith.divf %get3A_17, %div3A_50 : vector<512x1xf32>
    %sub3A_52 = arith.constant 14.2857141 : f32
    %sub3A_53 = vector.broadcast %sub3A_52 : f32 to vector<512x1xf32>
    %sub3A_54 = arith.subf %div3A_51, %sub3A_53 : vector<512x1xf32>
    %exp3A = math.exp %sub3A_54 : vector<512x1xf32>
    %div3A_55 = arith.constant 7.000000e-02 : f32
    %div3A_56 = vector.broadcast %div3A_55 : f32 to vector<512x16xf32>
    %div3A_57 = arith.divf %mul3A_49, %div3A_56 : vector<512x16xf32>
    %sub3A_58 = arith.constant 14.2857141 : f32
    %sub3A_59 = vector.broadcast %sub3A_58 : f32 to vector<512x16xf32>
    %sub3A_60 = arith.subf %div3A_57, %sub3A_59 : vector<512x16xf32>
    %exp3A_61 = math.exp %sub3A_60 : vector<512x16xf32>
    %concatenate3A_62 = tpu.concatenate %exp3A, %exp3A_61 in 1 : vector<512x1xf32>, vector<512x16xf32> -> vector<512x17xf32>
    %swap3A = arith.constant 0 : index
    %swap3A_63 = arith.constant 0 : index
    %swap3A_64 = arith.constant 0 : index
    %swap3A_65 = vector.load %arg8[%swap3A, %swap3A_63, %swap3A_64] : memref<1x512x17xf32, #tpu.memory_space<vmem>>, vector<1x512x17xf32>
    %swap3A_66 = vector.shape_cast %swap3A_65 : vector<1x512x17xf32> to vector<512x17xf32>
    %swap3A_67 = vector.shape_cast %concatenate3A_62 : vector<512x17xf32> to vector<1x512x17xf32>
    tpu.vector_store %arg8[%swap3A, %swap3A_63, %swap3A_64], %swap3A_67 {strides = array<i32>} : memref<1x512x17xf32, #tpu.memory_space<vmem>>, vector<1x512x17xf32>,
    return
  }
  func.func @transform_0(%arg0: i32) -> (i32, i32, i32) {
    %c0_i32 = arith.constant 0 : i32
    %c0_i32_0 = arith.constant 0 : i32
    %c0_i32_1 = arith.constant 0 : i32
    return %arg0, %c0_i32, %c0_i32_0 : i32, i32, i32
  }
  func.func @transform_1(%arg0: i32) -> (i32, i32, i32) {
    %add3A = arith.constant 4 : i32
    %add3A_0 = arith.addi %add3A, %arg0 : i32
    %c0_i32 = arith.constant 0 : i32
    %c0_i32_1 = arith.constant 0 : i32
    %c0_i32_2 = arith.constant 0 : i32
    return %add3A_0, %c0_i32, %c0_i32_1 : i32, i32, i32
  }
  func.func @transform_2(%arg0: i32) -> (i32, i32) {
    %c0_i32 = arith.constant 0 : i32
    %c0_i32_0 = arith.constant 0 : i32
    %c0_i32_1 = arith.constant 0 : i32
    return %c0_i32, %c0_i32_0 : i32, i32
  }
  func.func @transform_3(%arg0: i32) -> (i32, i32, i32) {
    %add3A = arith.constant 4 : i32
    %add3A_0 = arith.addi %add3A, %arg0 : i32
    %c0_i32 = arith.constant 0 : i32
    %c0_i32_1 = arith.constant 0 : i32
    %c0_i32_2 = arith.constant 0 : i32
    return %add3A_0, %c0_i32, %c0_i32_1 : i32, i32, i32
  }
  func.func @transform_4(%arg0: i32) -> (i32, i32) {
    %c0_i32 = arith.constant 0 : i32
    %c0_i32_0 = arith.constant 0 : i32
    %c0_i32_1 = arith.constant 0 : i32
    return %c0_i32, %c0_i32_0 : i32, i32
  }
  func.func @transform_5(%arg0: i32) -> (i32, i32) {
    %c0_i32 = arith.constant 0 : i32
    %c0_i32_0 = arith.constant 0 : i32
    %c0_i32_1 = arith.constant 0 : i32
    return %c0_i32, %c0_i32_0 : i32, i32
  }
  func.func @transform_6(%arg0: i32) -> (i32, i32, i32) {
    %add3A = arith.constant 4 : i32
    %add3A_0 = arith.addi %add3A, %arg0 : i32
    %c0_i32 = arith.constant 0 : i32
    %c0_i32_1 = arith.constant 0 : i32
    %c0_i32_2 = arith.constant 0 : i32
    return %add3A_0, %c0_i32, %c0_i32_1 : i32, i32, i32
  }
  func.func @transform_7(%arg0: i32) -> (i32, i32, i32) {
    %add3A = arith.constant 4 : i32
    %add3A_0 = arith.addi %add3A, %arg0 : i32
    %c0_i32 = arith.constant 0 : i32
    %c0_i32_1 = arith.constant 0 : i32
    %c0_i32_2 = arith.constant 0 : i32
    return %add3A_0, %c0_i32, %c0_i32_1 : i32, i32, i32
  }
}

</mosaic_0001>

<sc_bundles>
// kernel: kernel.10.cloned.1.call-start
scs
__scs_entry_jumppad:
0x0: {  	(pc) =	sbr.rel $0x88, $3  }
0x1: {  	(tag) =	ssettag $0x0;
	lr =	simm.s32 $0x1  }
0x2: {  	[smem:$0x3F89] =	sst lr;
	_ =	strace $0xD0000000  }
0x3: {  	_ = 	snop  }
0x4: {  	_ = 	snop  }
0x5: {  	_ = 	snop  }
0x6: {  	_ = 	snop  }
0x7: {  	_ = 	snop  }
__scs_overlays_trampoline_lowered:
0x8: {  	[smem:$0x3F98] =	sst s0  }
0x9: {  	[smem:$0x3F99] =	sst s1  }
0xa: {  	[smem:$0x3F9A] =	sst s2  }
0xb: {  	[smem:$0x3F9B] =	sst s3  }
0xc: {  	[smem:$0x3F9C] =	sst s4  }
0xd: {  	[smem:$0x3F9D] =	sst s5  }
0xe: {  	[smem:$0x3F9E] =	sst s6  }
0xf: {  	[smem:$0x3F9F] =	sst s7  }
0x10: {  	[smem:$0x3FA0] =	sst s8  }
0x11: {  	[smem:$0x3FA1] =	sst s9;
	s0 =	simm.s32 @!p0 $0x0  }
0x12: {  	s1 =	sld [smem:$0x3F87];
	s0 =	simm.s32 @p0 $0x1  }
0x13: {  	[smem:$0x3FA2] =	sst s0;
	s0 =	simm.s32 @!p1 $0x0  }
0x14: {  	s2 =	sld [smem:$0x3F86];
	s0 =	simm.s32 @p1 $0x1  }
0x15: {  	[smem:$0x3FA3] =	sst s0;
	s0 =	simm.s32 @!p2 $0x0  }
0x16: {  	s3 =	sld [smem:$0x3FDB];
	s0 =	simm.s32 @p2 $0x1  }
0x17: {  	s4 =	simm.s32 $0x1BF5;
	[smem:$0x3FA5] =	sst s0  }
0x18: {  	s0 =	sld [smem:$0x3F88];
	_ =	swait.ge [sflag:s4], $0x0  }
0x19: {  	s7 =	sld [smem:$0x3F89]  }
0x1a: {  	s8 =	sadd.s32 $0xFFFFE003, lr  }
0x1b: {  	s9 =	sadd.s32 $0xFFFFFEF7, lr;
	s5 =	simm.s32 $0xFFFFFFFF;
	p2 =	slt.u32 s8, $0xFFFFF086  }
0x1c: {  	p1 =	slt.u32 s9, $0xF7A;
	s5 =	simm.s32 @!p2 $0x0  }
0x1d: {  	s5 =	simm.s32 @p1 $0x1;
	p0 =	seq.s32 s7, s2  }
0x1e: {  	s7 =	smul.u32 @!p0 $0xF7A, s2;
	p2 =	seq.s32 @!p0 s5, $0x0  }
0x1f: {  	s9 =	smul.u32 $0xF7A, s1;
	s8 =	simm.s32 @!p0 $0x1BF5;
	p2 =	por !p2, p0  }
0x20: {  	[sflag:s8] =	ssyncset.s32 @!p0 $0xFFFFF086;
	s6 =	sadd.s32 @!p0 s3, s7;
	s7 =	simm.s32 @!p0 $0x108  }
0x21: {  	s3 =	sadd.s32 s3, s9;
	s6 =	sadd.s32 @!p0 $0x88, s6;
	s7 =	simm.s32 @p2 $0x1082  }
0x22: {  	[simem:s7], [sflag:s8] =	dma.local @!p0 [hbm:s6], $0xF7A  }
0x23: {  	s9 =	sor.u32 $0xD0000000, s2;
	s6 =	simm.s32 $0x108;
	_ =	swait.ge @!p0 [sflag:s8], $0x0  }
0x24: {  	s3 =	sadd.s32 $0x88, s3;
	s6 =	simm.s32 @!p1 $0x1082;
	[sflag:s4] =	ssyncset.s32 $0xFFFFF086  }
0x25: {  	[simem:s6], [sflag:s4] =	dma.local [hbm:s3], $0xF7A  }
0x26: {  	[smem:$0x3F89] =	sst s1;
	(tag) =	ssettag s2;
	_ =	strace s9  }
0x27: {  	s1 =	sld [smem:$0x3F99]  }
0x28: {  	s2 =	sld [smem:$0x3F9A]  }
0x29: {  	s4 =	sld [smem:$0x3F9C]  }
0x2a: {  	p0 =	seq.s32 s5, $0x0;
	s5 =	sld [smem:$0x3F9D]  }
0x2b: {  	s6 =	sld [smem:$0x3F9E]  }
0x2c: {  	s7 =	sld [smem:$0x3F9F]  }
0x2d: {  	s3 =	simm.s32 $0x108;
	s8 =	sld [smem:$0x3FA0]  }
0x2e: {  	s3 =	simm.s32 @!p0 $0x1082;
	s9 =	sld [smem:$0x3FA1]  }
0x2f: {  	lr =	sadd.s32 s0, s3;
	s0 =	sld [smem:$0x3F98]  }
0x30: {  	s3 =	sld [smem:$0x3F9B]  }
0x31: {  	[smem:$0x3FA4] =	sst s10  }
0x32: {  	s10 =	sld [smem:$0x3FA2];
	_ =	sdelay $0x3  }
0x33: {  	p0 =	seq.s32 s10, $0x1;
	s10 =	sld [smem:$0x3FA4];
	_ =	sdelay $0x3  }
0x34: {  	[smem:$0x3FA4] =	sst s10  }
0x35: {  	s10 =	sld [smem:$0x3FA3];
	_ =	sdelay $0x3  }
0x36: {  	p1 =	seq.s32 s10, $0x1;
	s10 =	sld [smem:$0x3FA4];
	_ =	sdelay $0x3  }
0x37: {  	[smem:$0x3FA4] =	sst s10  }
0x38: {  	s10 =	sld [smem:$0x3FA5]  }
0x39: {  	_ = 	snop;
	(pc) =	sbr.ind lr, $3  }
0x3a: {  	_ = 	snop  }
0x3b: {  	_ = 	snop  }
0x3c: {  	p2 =	seq.s32 s10, $0x1;
	s10 =	sld [smem:$0x3FA4]  }
0x3d: {  	_ =	shalt  }
0x3e: {  	_ =	shalt  }
0x3f: {  	_ =	shalt  }
0x40: {  	_ =	shalt  }
0x41: {  	_ =	shalt  }
0x42: {  	_ =	shalt  }
0x43: {  	_ =	shalt  }
0x44: {  	_ =	shalt  }
0x45: {  	_ =	shalt  }
0x46: {  	_ =	shalt  }
0x47: {  	_ =	shalt  }
0x48: {  	_ =	shalt  }
0x49: {  	_ =	shalt  }
0x4a: {  	_ =	shalt  }
0x4b: {  	_ =	shalt  }
0x4c: {  	_ =	shalt  }
0x4d: {  	_ =	shalt  }
0x4e: {  	_ =	shalt  }
0x4f: {  	_ =	shalt  }
0x50: {  	_ =	shalt  }
0x51: {  	_ =	shalt  }
0x52: {  	_ =	shalt  }
0x53: {  	_ =	shalt  }
0x54: {  	_ =	shalt  }
0x55: {  	_ =	shalt  }
0x56: {  	_ =	shalt  }
0x57: {  	_ =	shalt  }
0x58: {  	_ =	shalt  }
0x59: {  	_ =	shalt  }
0x5a: {  	_ =	shalt  }
0x5b: {  	_ =	shalt  }
0x5c: {  	_ =	shalt  }
0x5d: {  	_ =	shalt  }
0x5e: {  	_ =	shalt  }
0x5f: {  	_ =	shalt  }
0x60: {  	_ =	shalt  }
0x61: {  	_ =	shalt  }
0x62: {  	_ =	shalt  }
0x63: {  	_ =	shalt  }
0x64: {  	_ =	shalt  }
0x65: {  	_ =	shalt  }
0x66: {  	_ =	shalt  }
0x67: {  	_ =	shalt  }
0x68: {  	_ =	shalt  }
0x69: {  	_ =	shalt  }
0x6a: {  	_ =	shalt  }
0x6b: {  	_ =	shalt  }
0x6c: {  	_ =	shalt  }
0x6d: {  	_ =	shalt  }
0x6e: {  	_ =	shalt  }
0x6f: {  	_ =	shalt  }
0x70: {  	_ =	shalt  }
0x71: {  	_ =	shalt  }
0x72: {  	_ =	shalt  }
0x73: {  	_ =	shalt  }
0x74: {  	_ =	shalt  }
0x75: {  	_ =	shalt  }
0x76: {  	_ =	shalt  }
0x77: {  	_ =	shalt  }
0x78: {  	_ =	shalt  }
0x79: {  	_ =	shalt  }
0x7a: {  	_ =	shalt  }
0x7b: {  	_ =	shalt  }
0x7c: {  	_ =	shalt  }
0x7d: {  	_ =	shalt  }
0x7e: {  	_ =	shalt  }
0x7f: {  	_ =	shalt  }
0x80: {  	_ =	shalt  }
0x81: {  	_ =	shalt  }
0x82: {  	_ =	shalt  }
0x83: {  	_ =	shalt  }
0x84: {  	_ =	shalt  }
0x85: {  	_ =	shalt  }
0x86: {  	_ =	shalt  }
0x87: {  	_ =	shalt  }
.Lfunc_end0:
.L_simem_size_0:
called_computation.1_lowered:
.L_overlay_start_0:
0x88: {  	s2 =	sld [smem:$0x3FD9]  }
0x89: {  	s3 =	sld [smem:$0x3FFE];
	_ =	sdelay $0x1  }
0x8a: {  	s1 =	srdreg.scid  }
0x8b: {  	s0 =	sand.u32 $0x1, s1  }
0x8c: {  	s17 =	sshll.u32 s0, $0xA;
	s2 =	sadd.s32 s3, s2  }
0x8d: {  	s2 =	sadd.s32 s2, s17  }
0x8e: {  	[smem:$0x3FB0] =	sst s2  }
0x8f: {  	_ = 	snop  }
0x90: {  	s18 =	sld [smem:$0x3FC6]  }
0x91: {  	s4 =	sld [smem:$0x3FD0];
	(tm) =	ssettm $0x1  }
0x92: {  	s19 =	sld [smem:$0x3FFB];
	_ =	sdelay $0x3  }
0x93: {  	_ =	strace s19  }
0x94: {  	s2 =	sld [smem:$0x3FFC];
	_ =	sdelay $0x3  }
0x95: {  	_ =	strace s2  }
0x96: {  	s2 =	sld [smem:$0x3FFD];
	_ =	sdelay $0x3  }
0x97: {  	_ =	strace s2  }
0x98: {  	_ =	strace $0x8FFFFFFF  }
0x99: {  	s20 =	sld [smem:$0x3FDB];
	_ =	sdelay $0x1  }
0x9a: {  	s5 =	simm.s32 $_scs_section_size  }
0x9b: {  	s6 =	simm.s32 $_size__tile_overlayer_lowered;
	s7 =	simm.s32 $_tile_overlayer_lowered  }
0x9c: {  	s8 =	simm.s32 $0x1BFF;
	s21 =	sshll.u32 s7, $0x1;
	s5 =	sadd.s32 s5, s20  }
0x9d: {  	s22 =	simm.s32 $0x0;
	s6 =	sshll.u32 s6, $0x1;
	s7 =	sadd.s32 s21, s5  }
0x9e: {  	[timem:s22], [sflag:s8] =	dma.local [hbm:s7], s6  }
0x9f: {  	_ =	swait.ge [sflag:s8], s6  }
0xa0: {  	s6 =	ssub.s32 $0x0, s6;
	[sflag:s8] =	ssyncset.done $0x0  }
0xa1: {  	[sflag:s8] =	ssyncadd.s32 s6;
	_ =	sdelay $0x1  }
0xa2: {  	s23 =	simm.s32 $0x1B8B  }
0xa3: {  	_ =	swait.ge [sflag:s23], $0x1  }
0xa4: {  	[sflag:s23] =	ssyncset.done $0x0  }
0xa5: {  	[sflag:s23] =	ssyncadd.s32 $0xFFFFFFFF  }
0xa6: {  	s6 =	sld [smem:$0x0]  }
0xa7: {  	s7 =	sand.u32 $0xFFFFFFFE, s1  }
0xa8: {  	p0 =	sne.s32 s1, s7  }
0xa9: {  	s7 =	sshll.u32 @p0 s7, $0xE  }
0xaa: {  	s7 =	sadd.s32 @p0 $0x11B8D, s7;
	s8 =	sshll.u32 @p0 s6, $0x11  }
0xab: {  	s7 =	sor.u32 @p0 s8, s7  }
0xac: {  	[sflag:s7] =	ssyncadd.remote.s32 @p0 $0x1;
	_ =	sdelay $0x1  }
0xad: {  	s7 =	simm.s32 @p0 $0x1B8D  }
0xae: {  	_ =	swait.eq @p0 [sflag:s7], $0x1  }
0xaf: {  	[sflag:s7] =	ssyncadd.s32 @p0 $0xFFFFFFFF  }
0xb0: {  	s8 =	sshll.u32 @!p0 s1, $0xE  }
0xb1: {  	s8 =	sor.u32 @!p0 $0x4000, s8;
	s7 =	simm.s32 @!p0 $0x1B8D  }
0xb2: {  	s6 =	sshll.u32 @!p0 s6, $0x11;
	s8 =	sadd.s32 @!p0 $0x11B8D, s8;
	_ =	swait.eq @!p0 [sflag:s7], $0x1  }
0xb3: {  	s6 =	sor.u32 @!p0 s6, s8;
	[sflag:s7] =	ssyncadd.s32 @!p0 $0xFFFFFFFF  }
0xb4: {  	s25 =	simm.s32 $0x1B8E;
	s24 =	sld [smem:$0x3FFE];
	[sflag:s6] =	ssyncadd.remote.s32 @!p0 $0x1  }
0xb5: {  	s26 =	simm.s32 $execute0_lowered;
	[smem:$0x3FD2] =	sst s25  }
0xb6: {  	s7 =	sshll.u32 s26, $0x1;
	_ =	strace $0x80000049;
	[dreg:$0x1] =	wrdreg $0xFFFFFFFF  }
0xb7: {  	s28 =	simm.s32 $_size_execute0_lowered;
	s5 =	sadd.s32 s5, s7;
	[dreg:$0x0] =	wrdreg $0x0  }
0xb8: {  	s7 =	sshll.u32 s28, $0x1;
	[dreg:$0x2] =	wrdreg s5  }
0xb9: {  	[dreg:$0x3] =	wrdreg s7  }
0xba: {  	[dreg:$0x4] =	wrdreg $0xC0  }
0xbb: {  	_ =	task [dreg:s22], $0x5FFFF  }
0xbc: {  	[dreg:$0x1] =	wrdreg $0xFFFFFFFF  }
0xbd: {  	[dreg:$0x0] =	wrdreg $0x60  }
0xbe: {  	[dreg:$0x2] =	wrdreg s18  }
0xbf: {  	[dreg:$0x3] =	wrdreg s4  }
0xc0: {  	[dreg:$0x4] =	wrdreg s24  }
0xc1: {  	[dreg:$0x5] =	wrdreg $0xA  }
0xc2: {  	_ =	task.clear_ibuf [dreg:s22], $0x6FFFF;
	_ =	strace $0x90000049  }
0xc3: {  	s29 =	simm.s32 $0xA;
	_ =	strace $0x8000004B  }
0xc4: {  	_ =	swait.ge [sflag:s29], $0x1  }
0xc5: {  	[sflag:s29] =	ssyncadd.s32 $0xFFFFFFFF  }
0xc6: {  	_ =	strace $0x9000004B  }
0xc7: {  	_ =	sfence  }
0xc8: {  	s30 =	sld [smem:$0x0];
	_ =	sdelay $0x2  }
0xc9: {  	s31 =	sshll.u32 s1, $0xD;
	s1 =	sshrl.u32 s1, $0x2  }
0xca: {  	s4 =	sand.u32 $0x4000, s31;
	s1 =	sadd.s32 s1, s30  }
0xcb: {  	s0 =	sor.u32 s4, s0;
	s1 =	sshll.u32 s1, $0x11  }
0xcc: {  	s0 =	sor.u32 s1, s0  }
0xcd: {  	s0 =	sadd.s32 $0x8F2B, s0  }
0xce: {  	[sflag:s0] =	ssyncadd.remote.s32 $0x1  }
0xcf: {  	_ =	sfence.sel $0xFFFF  }
0xd0: {  	[dreg:$0x0] =	wrdreg $0xFFFFFFFF;
	(pc) =	sbr.abs _section_cstart, $3  }
0xd1: {  	[dreg:$0x1] =	wrdreg $0xFFFFFFFF  }
0xd2: {  	_ =	task.clear_ibuf [dreg:s22], $0x2FFFF;
	_ =	strace $0x9FFFFFFF  }
0xd3: {  	(tm) =	ssettm $0x7FFFFFFF  }
tec
execute0_lowered:
.L_overlay_start_1:
0x0: {  	(tag) =	ssettag $0x1  }
0x1: {  	s1 =	srdreg.scid  }
0x2: {  	s0 =	stileid.u32;
	s1 =	sand.u32 $0x1, s1  }
0x3: {  	s2 =	rddreg [dreg:$0x0];
	s6 =	sshll.u32 s0, $0xB;
	s7 =	sshll.u32 s1, $0xA  }
0x4: {  	s4 =	rddreg [dreg:$0x1];
	s6 =	sor.u32 s7, s6  }
0x5: {  	s5 =	rddreg [dreg:$0x2];
	s3 =	simm.s32 $0x0;
	s7 =	sshrl.u32 s6, $0x3  }
0x6: {  	[smem:$0x7FF] =	sst s3;
	s6 =	sshll.u32 s6, $0x4;
	s4 =	sadd.s32 s4, s7  }
0x7: {  	_ =	strace $0x8000004A;
	s31 =	sadd.s32 s6, s5;
	[dreg:$0x4] =	wrdreg s4  }
0x8: {  	s26 =	sadd.s32 $0x84800, s31;
	s25 =	rddreg [dreg:$0x4]  }
0x9: {  	s4 =	simm.s32 $0x9;
	[dreg:$0x5] =	wrdreg s26  }
0xa: {  	[tilespmem:s3], [sflag:$0x9] =	stream.linear.gather [hbm4b:s25+s3], $0x400, $0x38;
	[tilespmem:$0x10400] =	vst v63  }
0xb: {  	_ =	swait.ge [sflag:s4], $0x400  }
0xc: {  	[sflag:s4] =	ssyncset.done $0x0  }
0xd: {  	s5 =	simm.s32 $0x80;
	s6 =	simm.s32 $0x400;
	[sflag:s4] =	ssyncadd.s32 $0xFFFFFC00  }
0xe: {  	[tilespmem:s6], [sflag:$0x1] =	stream.indirect.gather [hbm4b:s2+s5], $0x80, s3, s5, $0xb8;
	[tilespmem:$0x10400] =	vst v63  }
0xf: {  	s7 =	simm.s32 $0x4400  }
0x10: {  	[tilespmem:s7], [sflag:$0x2] =	stream.indirect.gather [hbm4b:s2+s5], $0x80, s5, s5, $0xb8;
	[tilespmem:$0x10400] =	vst v63  }
0x11: {  	s8 =	simm.s32 $0x100;
	s9 =	simm.s32 $0x8400;
	s10 =	simm.s32 $0x1  }
0x12: {  	[tilespmem:s9], [sflag:$0x3] =	stream.indirect.gather [hbm4b:s2+s5], $0x80, s8, s5, $0xb8;
	[tilespmem:$0x10400] =	vst v63  }
0x13: {  	_ =	swait.ge [sflag:s10], $0x4000  }
0x14: {  	[sflag:s10] =	ssyncset.done $0x0  }
0x15: {  	s11 =	rddreg [dreg:$0x5];
	[sflag:s10] =	ssyncadd.s32 $0xFFFFC000  }
0x16: {  	[hbm4b:s11+s3] =	stream.linear.scatter [tilespmem:s6], [sflag:$0x5], $0x4000, $0x38;
	[tilespmem:$0x10400] =	vst v63  }
0x17: {  	s12 =	simm.s32 $0xC400;
	s13 =	simm.s32 $0x2;
	s11 =	simm.s32 $0x180  }
0x18: {  	[tilespmem:s12], [sflag:$0x4] =	stream.indirect.gather [hbm4b:s2+s5], $0x80, s11, s5, $0xb8;
	[tilespmem:$0x10400] =	vst v63  }
0x19: {  	_ =	swait.ge [sflag:s13], $0x4000  }
0x1a: {  	[sflag:s13] =	ssyncset.done $0x0  }
0x1b: {  	s15 =	simm.s32 $0x5;
	s14 =	sadd.s32 $0x85000, s31;
	[sflag:s13] =	ssyncadd.s32 $0xFFFFC000  }
0x1c: {  	[hbm4b:s14+s3] =	stream.linear.scatter [tilespmem:s7], [sflag:$0x6], $0x4000, $0x38;
	[tilespmem:$0x10400] =	vst v63  }
0x1d: {  	_ =	swait.ge [sflag:s15], $0x4000  }
0x1e: {  	[sflag:s15] =	ssyncset.done $0x0  }
0x1f: {  	s16 =	simm.s32 $0x200;
	s17 =	simm.s32 $0x3;
	[sflag:s15] =	ssyncadd.s32 $0xFFFFC000  }
0x20: {  	[tilespmem:s6], [sflag:$0x1] =	stream.indirect.gather [hbm4b:s2+s5], $0x80, s16, s5, $0xb8;
	[tilespmem:$0x10400] =	vst v63  }
0x21: {  	_ =	swait.ge [sflag:s17], $0x4000  }
0x22: {  	[sflag:s17] =	ssyncset.done $0x0  }
0x23: {  	s19 =	simm.s32 $0x6;
	s18 =	sadd.s32 $0x85800, s31;
	[sflag:s17] =	ssyncadd.s32 $0xFFFFC000  }
0x24: {  	[hbm4b:s18+s3] =	stream.linear.scatter [tilespmem:s9], [sflag:$0x7], $0x4000, $0x38;
	[tilespmem:$0x10400] =	vst v63  }
0x25: {  	_ =	swait.ge [sflag:s19], $0x4000  }
0x26: {  	[sflag:s19] =	ssyncset.done $0x0  }
0x27: {  	s20 =	simm.s32 $0x280;
	s21 =	simm.s32 $0x4;
	[sflag:s19] =	ssyncadd.s32 $0xFFFFC000  }
0x28: {  	[tilespmem:s7], [sflag:$0x2] =	stream.indirect.gather [hbm4b:s2+s5], $0x80, s20, s5, $0xb8;
	[tilespmem:$0x10400] =	vst v63  }
0x29: {  	_ =	swait.ge [sflag:s21], $0x4000  }
0x2a: {  	[sflag:s21] =	ssyncset.done $0x0  }
0x2b: {  	s23 =	simm.s32 $0x7;
	s22 =	sadd.s32 $0x86000, s31;
	[sflag:s21] =	ssyncadd.s32 $0xFFFFC000  }
0x2c: {  	[hbm4b:s22+s3] =	stream.linear.scatter [tilespmem:s12], [sflag:$0x8], $0x4000, $0x38;
	[tilespmem:$0x10400] =	vst v63  }
0x2d: {  	_ =	swait.ge [sflag:s23], $0x4000  }
0x2e: {  	[sflag:s23] =	ssyncset.done $0x0  }
0x2f: {  	s24 =	simm.s32 $0x300;
	[sflag:s23] =	ssyncadd.s32 $0xFFFFC000  }
0x30: {  	[tilespmem:s9], [sflag:$0x3] =	stream.indirect.gather [hbm4b:s2+s5], $0x80, s24, s5, $0xb8;
	[tilespmem:$0x10400] =	vst v63  }
0x31: {  	_ =	swait.ge [sflag:s10], $0x4000  }
0x32: {  	[sflag:s10] =	ssyncset.done $0x0  }
0x33: {  	s26 =	sadd.s32 $0x86800, s31;
	s25 =	simm.s32 $0x8;
	[sflag:s10] =	ssyncadd.s32 $0xFFFFC000  }
0x34: {  	[hbm4b:s26+s3] =	stream.linear.scatter [tilespmem:s6], [sflag:$0x5], $0x4000, $0x38;
	[tilespmem:$0x10400] =	vst v63  }
0x35: {  	_ =	swait.ge [sflag:s25], $0x4000  }
0x36: {  	[sflag:s25] =	ssyncset.done $0x0  }
0x37: {  	s28 =	simm.s32 $0x380;
	[sflag:s25] =	ssyncadd.s32 $0xFFFFC000  }
0x38: {  	[tilespmem:s12], [sflag:$0x4] =	stream.indirect.gather [hbm4b:s2+s5], $0x80, s28, s5, $0xb8;
	[tilespmem:$0x10400] =	vst v63  }
0x39: {  	_ =	swait.ge [sflag:s13], $0x4000  }
0x3a: {  	[sflag:s13] =	ssyncset.done $0x0  }
0x3b: {  	s29 =	sadd.s32 $0x87000, s31;
	[sflag:s13] =	ssyncadd.s32 $0xFFFFC000  }
0x3c: {  	[hbm4b:s29+s3] =	stream.linear.scatter [tilespmem:s7], [sflag:$0x6], $0x4000, $0x38;
	[tilespmem:$0x10400] =	vst v63  }
0x3d: {  	_ =	swait.ge [sflag:s17], $0x4000  }
0x3e: {  	[sflag:s17] =	ssyncset.done $0x0  }
0x3f: {  	s30 =	sadd.s32 $0x87800, s31;
	[sflag:s17] =	ssyncadd.s32 $0xFFFFC000  }
0x40: {  	[hbm4b:s30+s3] =	stream.linear.scatter [tilespmem:s9], [sflag:$0x7], $0x4000, $0x38;
	[tilespmem:$0x10400] =	vst v63  }
0x41: {  	_ =	swait.ge [sflag:s21], $0x4000  }
0x42: {  	[sflag:s21] =	ssyncset.done $0x0  }
0x43: {  	s31 =	sadd.s32 $0x88000, s31;
	[sflag:s21] =	ssyncadd.s32 $0xFFFFC000  }
0x44: {  	[hbm4b:s31+s3] =	stream.linear.scatter [tilespmem:s12], [sflag:$0x8], $0x4000, $0x38;
	[tilespmem:$0x10400] =	vst v63  }
0x45: {  	s1 =	ssub.s32 $0x2, s1;
	_ =	swait.ge [sflag:s15], $0x4000  }
0x46: {  	s0 =	sshrl.u32 s1, $0x1;
	[sflag:s15] =	ssyncset.done $0x0  }
0x47: {  	s0 =	ssub.s32 s1, s0;
	[sflag:s15] =	ssyncadd.s32 $0xFFFFC000  }
0x48: {  	s0 =	smax.u32 s0, $0x1;
	_ =	swait.ge [sflag:s19], $0x4000  }
0x49: {  	p0 =	sne.s32 s0, $0x1;
	[sflag:s19] =	ssyncset.done $0x0  }
.Ltmp0:
0x4a: {  	[sflag:s19] =	ssyncadd.s32 $0xFFFFC000;
	(pc) =	sbr.rel @!p0 .LBB2_2-.Ltmp0, $4  }
0x4b: {  	_ =	swait.ge [sflag:s23], $0x4000  }
0x4c: {  	[sflag:s23] =	ssyncset.done $0x0  }
0x4d: {  	[sflag:s23] =	ssyncadd.s32 $0xFFFFC000  }
0x4e: {  	s1 =	sadd.s32 $0xFFFFFFFF, s0;
	_ =	swait.ge [sflag:s25], $0x4000  }
.LBB2_1:
0x4f: {  	[sflag:s25] =	ssyncset.done $0x0  }
0x50: {  	s0 =	rddreg [dreg:$0x4];
	[sflag:s25] =	ssyncadd.s32 $0xFFFFC000  }
0x51: {  	[tilespmem:s3], [sflag:$0x9] =	stream.linear.gather [hbm4b:s0+s3], $0x400, $0x38;
	[tilespmem:$0x10400] =	vst v63  }
0x52: {  	_ =	swait.ge [sflag:s4], $0x400  }
0x53: {  	[sflag:s4] =	ssyncset.done $0x0  }
0x54: {  	[sflag:s4] =	ssyncadd.s32 $0xFFFFFC00  }
0x55: {  	[tilespmem:s6], [sflag:$0x1] =	stream.indirect.gather [hbm4b:s2+s5], $0x80, s3, s5, $0xb8;
	[tilespmem:$0x10400] =	vst v63  }
0x56: {  	_ = 	snop  }
0x57: {  	[tilespmem:s7], [sflag:$0x2] =	stream.indirect.gather [hbm4b:s2+s5], $0x80, s5, s5, $0xb8;
	[tilespmem:$0x10400] =	vst v63  }
0x58: {  	_ = 	snop  }
0x59: {  	[tilespmem:s9], [sflag:$0x3] =	stream.indirect.gather [hbm4b:s2+s5], $0x80, s8, s5, $0xb8;
	[tilespmem:$0x10400] =	vst v63  }
0x5a: {  	_ =	swait.ge [sflag:s10], $0x4000  }
0x5b: {  	[sflag:s10] =	ssyncset.done $0x0  }
0x5c: {  	s0 =	rddreg [dreg:$0x5];
	[sflag:s10] =	ssyncadd.s32 $0xFFFFC000  }
0x5d: {  	[hbm4b:s0+s3] =	stream.linear.scatter [tilespmem:s6], [sflag:$0x5], $0x4000, $0x38;
	[tilespmem:$0x10400] =	vst v63  }
0x5e: {  	_ = 	snop  }
0x5f: {  	[tilespmem:s12], [sflag:$0x4] =	stream.indirect.gather [hbm4b:s2+s5], $0x80, s11, s5, $0xb8;
	[tilespmem:$0x10400] =	vst v63  }
0x60: {  	_ =	swait.ge [sflag:s13], $0x4000  }
0x61: {  	[sflag:s13] =	ssyncset.done $0x0  }
0x62: {  	[sflag:s13] =	ssyncadd.s32 $0xFFFFC000  }
0x63: {  	[hbm4b:s14+s3] =	stream.linear.scatter [tilespmem:s7], [sflag:$0x6], $0x4000, $0x38;
	[tilespmem:$0x10400] =	vst v63  }
0x64: {  	_ =	swait.ge [sflag:s15], $0x4000  }
0x65: {  	[sflag:s15] =	ssyncset.done $0x0  }
0x66: {  	[sflag:s15] =	ssyncadd.s32 $0xFFFFC000  }
0x67: {  	[tilespmem:s6], [sflag:$0x1] =	stream.indirect.gather [hbm4b:s2+s5], $0x80, s16, s5, $0xb8;
	[tilespmem:$0x10400] =	vst v63  }
0x68: {  	_ =	swait.ge [sflag:s17], $0x4000  }
0x69: {  	[sflag:s17] =	ssyncset.done $0x0  }
0x6a: {  	[sflag:s17] =	ssyncadd.s32 $0xFFFFC000  }
0x6b: {  	[hbm4b:s18+s3] =	stream.linear.scatter [tilespmem:s9], [sflag:$0x7], $0x4000, $0x38;
	[tilespmem:$0x10400] =	vst v63  }
0x6c: {  	_ =	swait.ge [sflag:s19], $0x4000  }
0x6d: {  	[sflag:s19] =	ssyncset.done $0x0  }
0x6e: {  	[sflag:s19] =	ssyncadd.s32 $0xFFFFC000  }
0x6f: {  	[tilespmem:s7], [sflag:$0x2] =	stream.indirect.gather [hbm4b:s2+s5], $0x80, s20, s5, $0xb8;
	[tilespmem:$0x10400] =	vst v63  }
0x70: {  	_ =	swait.ge [sflag:s21], $0x4000  }
0x71: {  	[sflag:s21] =	ssyncset.done $0x0  }
0x72: {  	[sflag:s21] =	ssyncadd.s32 $0xFFFFC000  }
0x73: {  	[hbm4b:s22+s3] =	stream.linear.scatter [tilespmem:s12], [sflag:$0x8], $0x4000, $0x38;
	[tilespmem:$0x10400] =	vst v63  }
0x74: {  	_ =	swait.ge [sflag:s23], $0x4000  }
0x75: {  	[sflag:s23] =	ssyncset.done $0x0  }
0x76: {  	[sflag:s23] =	ssyncadd.s32 $0xFFFFC000  }
0x77: {  	[tilespmem:s9], [sflag:$0x3] =	stream.indirect.gather [hbm4b:s2+s5], $0x80, s24, s5, $0xb8;
	[tilespmem:$0x10400] =	vst v63  }
0x78: {  	_ =	swait.ge [sflag:s10], $0x4000  }
0x79: {  	[sflag:s10] =	ssyncset.done $0x0  }
0x7a: {  	[sflag:s10] =	ssyncadd.s32 $0xFFFFC000  }
0x7b: {  	[hbm4b:s26+s3] =	stream.linear.scatter [tilespmem:s6], [sflag:$0x5], $0x4000, $0x38;
	[tilespmem:$0x10400] =	vst v63  }
0x7c: {  	_ =	swait.ge [sflag:s25], $0x4000  }
0x7d: {  	[sflag:s25] =	ssyncset.done $0x0  }
0x7e: {  	[sflag:s25] =	ssyncadd.s32 $0xFFFFC000  }
0x7f: {  	[tilespmem:s12], [sflag:$0x4] =	stream.indirect.gather [hbm4b:s2+s5], $0x80, s28, s5, $0xb8;
	[tilespmem:$0x10400] =	vst v63  }
0x80: {  	_ =	swait.ge [sflag:s13], $0x4000  }
0x81: {  	[sflag:s13] =	ssyncset.done $0x0  }
0x82: {  	[sflag:s13] =	ssyncadd.s32 $0xFFFFC000  }
0x83: {  	[hbm4b:s29+s3] =	stream.linear.scatter [tilespmem:s7], [sflag:$0x6], $0x4000, $0x38;
	[tilespmem:$0x10400] =	vst v63  }
0x84: {  	_ =	swait.ge [sflag:s17], $0x4000  }
0x85: {  	[sflag:s17] =	ssyncset.done $0x0  }
0x86: {  	[sflag:s17] =	ssyncadd.s32 $0xFFFFC000  }
0x87: {  	[hbm4b:s30+s3] =	stream.linear.scatter [tilespmem:s9], [sflag:$0x7], $0x4000, $0x38;
	[tilespmem:$0x10400] =	vst v63  }
0x88: {  	_ =	swait.ge [sflag:s21], $0x4000  }
0x89: {  	[sflag:s21] =	ssyncset.done $0x0  }
0x8a: {  	[sflag:s21] =	ssyncadd.s32 $0xFFFFC000  }
0x8b: {  	[hbm4b:s31+s3] =	stream.linear.scatter [tilespmem:s12], [sflag:$0x8], $0x4000, $0x38;
	[tilespmem:$0x10400] =	vst v63  }
0x8c: {  	_ =	swait.ge [sflag:s15], $0x4000  }
0x8d: {  	[sflag:s15] =	ssyncset.done $0x0  }
0x8e: {  	[sflag:s15] =	ssyncadd.s32 $0xFFFFC000  }
0x8f: {  	_ =	swait.ge [sflag:s19], $0x4000  }
0x90: {  	p0 =	sne.s32 s1, $0x1;
	[sflag:s19] =	ssyncset.done $0x0  }
.Ltmp1:
0x91: {  	[sflag:s19] =	ssyncadd.s32 $0xFFFFC000;
	(pc) =	sbr.rel @p0 .LBB2_1-.Ltmp1, $4  }
0x92: {  	_ =	swait.ge [sflag:s23], $0x4000  }
0x93: {  	[sflag:s23] =	ssyncset.done $0x0  }
0x94: {  	[sflag:s23] =	ssyncadd.s32 $0xFFFFC000  }
0x95: {  	s1 =	sadd.s32 $0xFFFFFFFF, s1;
	_ =	swait.ge [sflag:s25], $0x4000  }
.LBB2_2:
0x96: {  	[sflag:s25] =	ssyncset.done $0x0  }
0x97: {  	[sflag:s25] =	ssyncadd.s32 $0xFFFFC000  }
0x98: {  	_ =	sfence.sel $0x180000  }
0x99: {  	[bflag:$0x0] =	sbarrier.arrive $0xFFFF  }
0x9a: {  	_ =	strace $0x9000004A  }
0x9b: {  	s0 =	stileid.u32;
	[bflag:$0x2] =	sbarrier.arrive $0xFFFF  }
0x9c: {  	p0 =	sne.s32 s0, $0x0;
	s0 =	rddreg [dreg:$0x3]  }
0x9d: {  	s0 =	sadd.s32 @!p0 $0x100000, s0  }
0x9e: {  	[sflag:s0] =	ssyncadd.tile.s32 @!p0 $0x1;
	_ =	shalt  }
.Lfunc_end2:
_tile_overlayer_lowered:
.L_overlay_start_2:
0x9f: {  	(tag) =	ssettag $0x2  }
0xa0: {  	s0 =	rddreg [dreg:$0x0];
	s2 =	stileid.u32  }
0xa1: {  	s1 =	rddreg [dreg:$0x1];
	p0 =	sne.s32 s2, $0x0  }
0xa2: {  	s3 =	rddreg [dreg:$0x2];
	[bflag:$0x3] =	sbarrier.arrive $0xFFFF;
	s2 =	simm.s32 @!p0 $0x1C09  }
0xa3: {  	[timem:s3], [sflag:s2] =	dma.local @!p0 [hbm:s0], s1  }
0xa4: {  	s0 =	simm.s32 @!p0 $0x9  }
0xa5: {  	_ =	swait.ge @!p0 [sflag:s0], s1  }
0xa6: {  	s1 =	ssub.s32 @!p0 $0x0, s1;
	[sflag:s0] =	ssyncset.done @!p0 $0x0  }
0xa7: {  	[sflag:s0] =	ssyncadd.s32 @!p0 s1  }
0xa8: {  	[bflag:$0x3] =	sbarrier.arrive $0xFFFF  }
0xa9: {  	_ =	shalt  }

// kernel: kernel.7.cloned.1.call-start
scs
__scs_entry_jumppad:
0x0: {  	(pc) =	sbr.rel $0x88, $3  }
0x1: {  	(tag) =	ssettag $0x0;
	lr =	simm.s32 $0x1  }
0x2: {  	[smem:$0x3F89] =	sst lr;
	_ =	strace $0xD0000000  }
0x3: {  	_ = 	snop  }
0x4: {  	_ = 	snop  }
0x5: {  	_ = 	snop  }
0x6: {  	_ = 	snop  }
0x7: {  	_ = 	snop  }
__scs_overlays_trampoline_lowered:
0x8: {  	[smem:$0x3F98] =	sst s0  }
0x9: {  	[smem:$0x3F99] =	sst s1  }
0xa: {  	[smem:$0x3F9A] =	sst s2  }
0xb: {  	[smem:$0x3F9B] =	sst s3  }
0xc: {  	[smem:$0x3F9C] =	sst s4  }
0xd: {  	[smem:$0x3F9D] =	sst s5  }
0xe: {  	[smem:$0x3F9E] =	sst s6  }
0xf: {  	[smem:$0x3F9F] =	sst s7  }
0x10: {  	[smem:$0x3FA0] =	sst s8  }
0x11: {  	[smem:$0x3FA1] =	sst s9;
	s0 =	simm.s32 @!p0 $0x0  }
0x12: {  	s1 =	sld [smem:$0x3F87];
	s0 =	simm.s32 @p0 $0x1  }
0x13: {  	[smem:$0x3FA2] =	sst s0;
	s0 =	simm.s32 @!p1 $0x0  }
0x14: {  	s2 =	sld [smem:$0x3F86];
	s0 =	simm.s32 @p1 $0x1  }
0x15: {  	[smem:$0x3FA3] =	sst s0;
	s0 =	simm.s32 @!p2 $0x0  }
0x16: {  	s3 =	sld [smem:$0x3FDB];
	s0 =	simm.s32 @p2 $0x1  }
0x17: {  	s4 =	simm.s32 $0x1BF5;
	[smem:$0x3FA5] =	sst s0  }
0x18: {  	s0 =	sld [smem:$0x3F88];
	_ =	swait.ge [sflag:s4], $0x0  }
0x19: {  	s7 =	sld [smem:$0x3F89]  }
0x1a: {  	s8 =	sadd.s32 $0xFFFFE003, lr  }
0x1b: {  	s9 =	sadd.s32 $0xFFFFFEF7, lr;
	s5 =	simm.s32 $0xFFFFFFFF;
	p2 =	slt.u32 s8, $0xFFFFF086  }
0x1c: {  	p1 =	slt.u32 s9, $0xF7A;
	s5 =	simm.s32 @!p2 $0x0  }
0x1d: {  	s5 =	simm.s32 @p1 $0x1;
	p0 =	seq.s32 s7, s2  }
0x1e: {  	s7 =	smul.u32 @!p0 $0xF7A, s2;
	p2 =	seq.s32 @!p0 s5, $0x0  }
0x1f: {  	s9 =	smul.u32 $0xF7A, s1;
	s8 =	simm.s32 @!p0 $0x1BF5;
	p2 =	por !p2, p0  }
0x20: {  	[sflag:s8] =	ssyncset.s32 @!p0 $0xFFFFF086;
	s6 =	sadd.s32 @!p0 s3, s7;
	s7 =	simm.s32 @!p0 $0x108  }
0x21: {  	s3 =	sadd.s32 s3, s9;
	s6 =	sadd.s32 @!p0 $0x88, s6;
	s7 =	simm.s32 @p2 $0x1082  }
0x22: {  	[simem:s7], [sflag:s8] =	dma.local @!p0 [hbm:s6], $0xF7A  }
0x23: {  	s9 =	sor.u32 $0xD0000000, s2;
	s6 =	simm.s32 $0x108;
	_ =	swait.ge @!p0 [sflag:s8], $0x0  }
0x24: {  	s3 =	sadd.s32 $0x88, s3;
	s6 =	simm.s32 @!p1 $0x1082;
	[sflag:s4] =	ssyncset.s32 $0xFFFFF086  }
0x25: {  	[simem:s6], [sflag:s4] =	dma.local [hbm:s3], $0xF7A  }
0x26: {  	[smem:$0x3F89] =	sst s1;
	(tag) =	ssettag s2;
	_ =	strace s9  }
0x27: {  	s1 =	sld [smem:$0x3F99]  }
0x28: {  	s2 =	sld [smem:$0x3F9A]  }
0x29: {  	s4 =	sld [smem:$0x3F9C]  }
0x2a: {  	p0 =	seq.s32 s5, $0x0;
	s5 =	sld [smem:$0x3F9D]  }
0x2b: {  	s6 =	sld [smem:$0x3F9E]  }
0x2c: {  	s7 =	sld [smem:$0x3F9F]  }
0x2d: {  	s3 =	simm.s32 $0x108;
	s8 =	sld [smem:$0x3FA0]  }
0x2e: {  	s3 =	simm.s32 @!p0 $0x1082;
	s9 =	sld [smem:$0x3FA1]  }
0x2f: {  	lr =	sadd.s32 s0, s3;
	s0 =	sld [smem:$0x3F98]  }
0x30: {  	s3 =	sld [smem:$0x3F9B]  }
0x31: {  	[smem:$0x3FA4] =	sst s10  }
0x32: {  	s10 =	sld [smem:$0x3FA2];
	_ =	sdelay $0x3  }
0x33: {  	p0 =	seq.s32 s10, $0x1;
	s10 =	sld [smem:$0x3FA4];
	_ =	sdelay $0x3  }
0x34: {  	[smem:$0x3FA4] =	sst s10  }
0x35: {  	s10 =	sld [smem:$0x3FA3];
	_ =	sdelay $0x3  }
0x36: {  	p1 =	seq.s32 s10, $0x1;
	s10 =	sld [smem:$0x3FA4];
	_ =	sdelay $0x3  }
0x37: {  	[smem:$0x3FA4] =	sst s10  }
0x38: {  	s10 =	sld [smem:$0x3FA5]  }
0x39: {  	_ = 	snop;
	(pc) =	sbr.ind lr, $3  }
0x3a: {  	_ = 	snop  }
0x3b: {  	_ = 	snop  }
0x3c: {  	p2 =	seq.s32 s10, $0x1;
	s10 =	sld [smem:$0x3FA4]  }
0x3d: {  	_ =	shalt  }
0x3e: {  	_ =	shalt  }
0x3f: {  	_ =	shalt  }
0x40: {  	_ =	shalt  }
0x41: {  	_ =	shalt  }
0x42: {  	_ =	shalt  }
0x43: {  	_ =	shalt  }
0x44: {  	_ =	shalt  }
0x45: {  	_ =	shalt  }
0x46: {  	_ =	shalt  }
0x47: {  	_ =	shalt  }
0x48: {  	_ =	shalt  }
0x49: {  	_ =	shalt  }
0x4a: {  	_ =	shalt  }
0x4b: {  	_ =	shalt  }
0x4c: {  	_ =	shalt  }
0x4d: {  	_ =	shalt  }
0x4e: {  	_ =	shalt  }
0x4f: {  	_ =	shalt  }
0x50: {  	_ =	shalt  }
0x51: {  	_ =	shalt  }
0x52: {  	_ =	shalt  }
0x53: {  	_ =	shalt  }
0x54: {  	_ =	shalt  }
0x55: {  	_ =	shalt  }
0x56: {  	_ =	shalt  }
0x57: {  	_ =	shalt  }
0x58: {  	_ =	shalt  }
0x59: {  	_ =	shalt  }
0x5a: {  	_ =	shalt  }
0x5b: {  	_ =	shalt  }
0x5c: {  	_ =	shalt  }
0x5d: {  	_ =	shalt  }
0x5e: {  	_ =	shalt  }
0x5f: {  	_ =	shalt  }
0x60: {  	_ =	shalt  }
0x61: {  	_ =	shalt  }
0x62: {  	_ =	shalt  }
0x63: {  	_ =	shalt  }
0x64: {  	_ =	shalt  }
0x65: {  	_ =	shalt  }
0x66: {  	_ =	shalt  }
0x67: {  	_ =	shalt  }
0x68: {  	_ =	shalt  }
0x69: {  	_ =	shalt  }
0x6a: {  	_ =	shalt  }
0x6b: {  	_ =	shalt  }
0x6c: {  	_ =	shalt  }
0x6d: {  	_ =	shalt  }
0x6e: {  	_ =	shalt  }
0x6f: {  	_ =	shalt  }
0x70: {  	_ =	shalt  }
0x71: {  	_ =	shalt  }
0x72: {  	_ =	shalt  }
0x73: {  	_ =	shalt  }
0x74: {  	_ =	shalt  }
0x75: {  	_ =	shalt  }
0x76: {  	_ =	shalt  }
0x77: {  	_ =	shalt  }
0x78: {  	_ =	shalt  }
0x79: {  	_ =	shalt  }
0x7a: {  	_ =	shalt  }
0x7b: {  	_ =	shalt  }
0x7c: {  	_ =	shalt  }
0x7d: {  	_ =	shalt  }
0x7e: {  	_ =	shalt  }
0x7f: {  	_ =	shalt  }
0x80: {  	_ =	shalt  }
0x81: {  	_ =	shalt  }
0x82: {  	_ =	shalt  }
0x83: {  	_ =	shalt  }
0x84: {  	_ =	shalt  }
0x85: {  	_ =	shalt  }
0x86: {  	_ =	shalt  }
0x87: {  	_ =	shalt  }
.Lfunc_end0:
.L_simem_size_0:
called_computation_lowered:
.L_overlay_start_0:
0x88: {  	s2 =	sld [smem:$0x3FD9]  }
0x89: {  	s3 =	sld [smem:$0x3FFE];
	_ =	sdelay $0x1  }
0x8a: {  	s1 =	srdreg.scid  }
0x8b: {  	s0 =	sand.u32 $0x1, s1  }
0x8c: {  	s17 =	sshll.u32 s0, $0xA;
	s2 =	sadd.s32 s3, s2  }
0x8d: {  	s2 =	sadd.s32 s2, s17  }
0x8e: {  	[smem:$0x3FB0] =	sst s2  }
0x8f: {  	_ = 	snop  }
0x90: {  	s2 =	sld [smem:$0x3FC6];
	(tm) =	ssettm $0x1  }
0x91: {  	s18 =	sld [smem:$0x3FFB];
	_ =	sdelay $0x3  }
0x92: {  	_ =	strace s18  }
0x93: {  	s3 =	sld [smem:$0x3FFC];
	_ =	sdelay $0x3  }
0x94: {  	_ =	strace s3  }
0x95: {  	s3 =	sld [smem:$0x3FFD];
	_ =	sdelay $0x3  }
0x96: {  	_ =	strace s3  }
0x97: {  	_ =	strace $0x8FFFFFFF  }
0x98: {  	s19 =	sld [smem:$0x3FDB];
	_ =	sdelay $0x1  }
0x99: {  	s4 =	simm.s32 $_scs_section_size  }
0x9a: {  	s5 =	simm.s32 $_size__tile_overlayer_lowered;
	s6 =	simm.s32 $_tile_overlayer_lowered  }
0x9b: {  	s22 =	simm.s32 $0x1BFF;
	s21 =	sshll.u32 s6, $0x1;
	s3 =	sadd.s32 s4, s19  }
0x9c: {  	s7 =	simm.s32 $0x0;
	s20 =	sshll.u32 s5, $0x1;
	s5 =	sadd.s32 s21, s3  }
0x9d: {  	[timem:s7], [sflag:s22] =	dma.local [hbm:s5], s20  }
0x9e: {  	_ =	swait.ge [sflag:s22], s20  }
0x9f: {  	s4 =	ssub.s32 $0x0, s20;
	[sflag:s22] =	ssyncset.done $0x0  }
0xa0: {  	[sflag:s22] =	ssyncadd.s32 s4;
	_ =	sdelay $0x1  }
0xa1: {  	s23 =	simm.s32 $0x1B8B  }
0xa2: {  	_ =	swait.ge [sflag:s23], $0x1  }
0xa3: {  	[sflag:s23] =	ssyncset.done $0x0  }
0xa4: {  	s25 =	simm.s32 $0x1B8E;
	s24 =	sld [smem:$0x3FFE];
	[sflag:s23] =	ssyncadd.s32 $0xFFFFFFFF  }
0xa5: {  	s26 =	simm.s32 $execute0_lowered;
	[smem:$0x3FD2] =	sst s25  }
0xa6: {  	s5 =	sshll.u32 s26, $0x1;
	_ =	strace $0x80000046;
	[dreg:$0x1] =	wrdreg $0xFFFFFFFF  }
0xa7: {  	s28 =	simm.s32 $_size_execute0_lowered;
	s3 =	sadd.s32 s3, s5;
	[dreg:$0x0] =	wrdreg $0x0  }
0xa8: {  	s5 =	sshll.u32 s28, $0x1;
	[dreg:$0x2] =	wrdreg s3  }
0xa9: {  	[dreg:$0x3] =	wrdreg s5  }
0xaa: {  	[dreg:$0x4] =	wrdreg $0xC0  }
0xab: {  	_ =	task [dreg:s7], $0x5FFFF  }
0xac: {  	[dreg:$0x1] =	wrdreg $0xFFFFFFFF  }
0xad: {  	[dreg:$0x0] =	wrdreg $0x60  }
0xae: {  	[dreg:$0x2] =	wrdreg s2  }
0xaf: {  	[dreg:$0x3] =	wrdreg s24  }
0xb0: {  	[dreg:$0x4] =	wrdreg $0x9  }
0xb1: {  	_ =	task.clear_ibuf [dreg:s7], $0x5FFFF;
	_ =	strace $0x90000046  }
0xb2: {  	s29 =	simm.s32 $0x9;
	_ =	strace $0x80000048  }
0xb3: {  	_ =	swait.ge [sflag:s29], $0x1  }
0xb4: {  	[sflag:s29] =	ssyncadd.s32 $0xFFFFFFFF  }
0xb5: {  	_ =	strace $0x90000048  }
0xb6: {  	_ =	sfence  }
0xb7: {  	s30 =	sld [smem:$0x0];
	_ =	sdelay $0x2  }
0xb8: {  	s31 =	sshll.u32 s1, $0xD;
	s1 =	sshrl.u32 s1, $0x2  }
0xb9: {  	s3 =	sand.u32 $0x4000, s31;
	s1 =	sadd.s32 s1, s30  }
0xba: {  	s0 =	sor.u32 s3, s0;
	s1 =	sshll.u32 s1, $0x11  }
0xbb: {  	s0 =	sor.u32 s1, s0  }
0xbc: {  	s0 =	sadd.s32 $0x8F2B, s0  }
0xbd: {  	[sflag:s0] =	ssyncadd.remote.s32 $0x1  }
0xbe: {  	_ =	sfence.sel $0xFFFF  }
0xbf: {  	[dreg:$0x0] =	wrdreg $0xFFFFFFFF;
	(pc) =	sbr.abs _section_cstart, $3  }
0xc0: {  	[dreg:$0x1] =	wrdreg $0xFFFFFFFF  }
0xc1: {  	_ =	task.clear_ibuf [dreg:s7], $0x2FFFF;
	_ =	strace $0x9FFFFFFF  }
0xc2: {  	(tm) =	ssettm $0x7FFFFFFF  }
0xc3: {  	_ =	shalt  }
tec
execute0_lowered:
.L_overlay_start_1:
0x0: {  	(tag) =	ssettag $0x1  }
0x1: {  	s1 =	srdreg.scid  }
0x2: {  	s0 =	stileid.u32;
	s1 =	sand.u32 $0x1, s1  }
0x3: {  	s3 =	sshll.u32 s0, $0xB;
	s4 =	sshll.u32 s1, $0xA  }
0x4: {  	s2 =	rddreg [dreg:$0x0];
	s4 =	sor.u32 s4, s3  }
0x5: {  	s5 =	rddreg [dreg:$0x1];
	s6 =	sshrl.u32 s4, $0x3  }
0x6: {  	s3 =	simm.s32 $0x0;
	s4 =	sshll.u32 s4, $0x4;
	s6 =	sadd.s32 s6, s5  }
0x7: {  	[smem:$0x7FF] =	sst s3;
	s31 =	sadd.s32 s4, s5;
	s6 =	sadd.s32 $0x3800, s6  }
0x8: {  	_ =	strace $0x80000047;
	s4 =	sadd.s32 $0x4800, s31;
	[dreg:$0x3] =	wrdreg s6  }
0x9: {  	[dreg:$0x4] =	wrdreg s4  }
0xa: {  	s4 =	simm.s32 $0x9;
	s26 =	rddreg [dreg:$0x3]  }
0xb: {  	[tilespmem:s3], [sflag:$0x9] =	stream.linear.gather [hbm4b:s26+s3], $0x400, $0x38;
	[tilespmem:$0x10400] =	vst v63  }
0xc: {  	_ =	swait.ge [sflag:s4], $0x400  }
0xd: {  	[sflag:s4] =	ssyncset.done $0x0  }
0xe: {  	s5 =	simm.s32 $0x80;
	s6 =	simm.s32 $0x400;
	[sflag:s4] =	ssyncadd.s32 $0xFFFFFC00  }
0xf: {  	[tilespmem:s6], [sflag:$0x1] =	stream.indirect.gather [hbm4b:s2+s5], $0x80, s3, s5, $0xb8;
	[tilespmem:$0x10400] =	vst v63  }
0x10: {  	s7 =	simm.s32 $0x4400  }
0x11: {  	[tilespmem:s7], [sflag:$0x2] =	stream.indirect.gather [hbm4b:s2+s5], $0x80, s5, s5, $0xb8;
	[tilespmem:$0x10400] =	vst v63  }
0x12: {  	s8 =	simm.s32 $0x100;
	s9 =	simm.s32 $0x8400;
	s10 =	simm.s32 $0x1  }
0x13: {  	[tilespmem:s9], [sflag:$0x3] =	stream.indirect.gather [hbm4b:s2+s5], $0x80, s8, s5, $0xb8;
	[tilespmem:$0x10400] =	vst v63  }
0x14: {  	_ =	swait.ge [sflag:s10], $0x4000  }
0x15: {  	[sflag:s10] =	ssyncset.done $0x0  }
0x16: {  	s11 =	rddreg [dreg:$0x4];
	[sflag:s10] =	ssyncadd.s32 $0xFFFFC000  }
0x17: {  	[hbm4b:s11+s3] =	stream.linear.scatter [tilespmem:s6], [sflag:$0x5], $0x4000, $0x38;
	[tilespmem:$0x10400] =	vst v63  }
0x18: {  	s12 =	simm.s32 $0xC400;
	s13 =	simm.s32 $0x2;
	s11 =	simm.s32 $0x180  }
0x19: {  	[tilespmem:s12], [sflag:$0x4] =	stream.indirect.gather [hbm4b:s2+s5], $0x80, s11, s5, $0xb8;
	[tilespmem:$0x10400] =	vst v63  }
0x1a: {  	_ =	swait.ge [sflag:s13], $0x4000  }
0x1b: {  	[sflag:s13] =	ssyncset.done $0x0  }
0x1c: {  	s15 =	simm.s32 $0x5;
	s14 =	sadd.s32 $0x5000, s31;
	[sflag:s13] =	ssyncadd.s32 $0xFFFFC000  }
0x1d: {  	[hbm4b:s14+s3] =	stream.linear.scatter [tilespmem:s7], [sflag:$0x6], $0x4000, $0x38;
	[tilespmem:$0x10400] =	vst v63  }
0x1e: {  	_ =	swait.ge [sflag:s15], $0x4000  }
0x1f: {  	[sflag:s15] =	ssyncset.done $0x0  }
0x20: {  	s16 =	simm.s32 $0x200;
	s17 =	simm.s32 $0x3;
	[sflag:s15] =	ssyncadd.s32 $0xFFFFC000  }
0x21: {  	[tilespmem:s6], [sflag:$0x1] =	stream.indirect.gather [hbm4b:s2+s5], $0x80, s16, s5, $0xb8;
	[tilespmem:$0x10400] =	vst v63  }
0x22: {  	_ =	swait.ge [sflag:s17], $0x4000  }
0x23: {  	[sflag:s17] =	ssyncset.done $0x0  }
0x24: {  	s19 =	simm.s32 $0x6;
	s18 =	sadd.s32 $0x5800, s31;
	[sflag:s17] =	ssyncadd.s32 $0xFFFFC000  }
0x25: {  	[hbm4b:s18+s3] =	stream.linear.scatter [tilespmem:s9], [sflag:$0x7], $0x4000, $0x38;
	[tilespmem:$0x10400] =	vst v63  }
0x26: {  	_ =	swait.ge [sflag:s19], $0x4000  }
0x27: {  	[sflag:s19] =	ssyncset.done $0x0  }
0x28: {  	s20 =	simm.s32 $0x280;
	s21 =	simm.s32 $0x4;
	[sflag:s19] =	ssyncadd.s32 $0xFFFFC000  }
0x29: {  	[tilespmem:s7], [sflag:$0x2] =	stream.indirect.gather [hbm4b:s2+s5], $0x80, s20, s5, $0xb8;
	[tilespmem:$0x10400] =	vst v63  }
0x2a: {  	_ =	swait.ge [sflag:s21], $0x4000  }
0x2b: {  	[sflag:s21] =	ssyncset.done $0x0  }
0x2c: {  	s23 =	simm.s32 $0x7;
	s22 =	sadd.s32 $0x6000, s31;
	[sflag:s21] =	ssyncadd.s32 $0xFFFFC000  }
0x2d: {  	[hbm4b:s22+s3] =	stream.linear.scatter [tilespmem:s12], [sflag:$0x8], $0x4000, $0x38;
	[tilespmem:$0x10400] =	vst v63  }
0x2e: {  	_ =	swait.ge [sflag:s23], $0x4000  }
0x2f: {  	[sflag:s23] =	ssyncset.done $0x0  }
0x30: {  	s24 =	simm.s32 $0x300;
	[sflag:s23] =	ssyncadd.s32 $0xFFFFC000  }
0x31: {  	[tilespmem:s9], [sflag:$0x3] =	stream.indirect.gather [hbm4b:s2+s5], $0x80, s24, s5, $0xb8;
	[tilespmem:$0x10400] =	vst v63  }
0x32: {  	_ =	swait.ge [sflag:s10], $0x4000  }
0x33: {  	[sflag:s10] =	ssyncset.done $0x0  }
0x34: {  	s25 =	simm.s32 $0x8;
	s26 =	sadd.s32 $0x6800, s31;
	[sflag:s10] =	ssyncadd.s32 $0xFFFFC000  }
0x35: {  	[hbm4b:s26+s3] =	stream.linear.scatter [tilespmem:s6], [sflag:$0x5], $0x4000, $0x38;
	[tilespmem:$0x10400] =	vst v63  }
0x36: {  	_ =	swait.ge [sflag:s25], $0x4000  }
0x37: {  	[sflag:s25] =	ssyncset.done $0x0  }
0x38: {  	s28 =	simm.s32 $0x380;
	[sflag:s25] =	ssyncadd.s32 $0xFFFFC000  }
0x39: {  	[tilespmem:s12], [sflag:$0x4] =	stream.indirect.gather [hbm4b:s2+s5], $0x80, s28, s5, $0xb8;
	[tilespmem:$0x10400] =	vst v63  }
0x3a: {  	_ =	swait.ge [sflag:s13], $0x4000  }
0x3b: {  	[sflag:s13] =	ssyncset.done $0x0  }
0x3c: {  	s29 =	sadd.s32 $0x7000, s31;
	[sflag:s13] =	ssyncadd.s32 $0xFFFFC000  }
0x3d: {  	[hbm4b:s29+s3] =	stream.linear.scatter [tilespmem:s7], [sflag:$0x6], $0x4000, $0x38;
	[tilespmem:$0x10400] =	vst v63  }
0x3e: {  	_ =	swait.ge [sflag:s17], $0x4000  }
0x3f: {  	[sflag:s17] =	ssyncset.done $0x0  }
0x40: {  	s30 =	sadd.s32 $0x7800, s31;
	[sflag:s17] =	ssyncadd.s32 $0xFFFFC000  }
0x41: {  	[hbm4b:s30+s3] =	stream.linear.scatter [tilespmem:s9], [sflag:$0x7], $0x4000, $0x38;
	[tilespmem:$0x10400] =	vst v63  }
0x42: {  	_ =	swait.ge [sflag:s21], $0x4000  }
0x43: {  	[sflag:s21] =	ssyncset.done $0x0  }
0x44: {  	s31 =	sadd.s32 $0x8000, s31;
	[sflag:s21] =	ssyncadd.s32 $0xFFFFC000  }
0x45: {  	[hbm4b:s31+s3] =	stream.linear.scatter [tilespmem:s12], [sflag:$0x8], $0x4000, $0x38;
	[tilespmem:$0x10400] =	vst v63  }
0x46: {  	s1 =	ssub.s32 $0x2, s1;
	_ =	swait.ge [sflag:s15], $0x4000  }
0x47: {  	s0 =	sshrl.u32 s1, $0x1;
	[sflag:s15] =	ssyncset.done $0x0  }
0x48: {  	s0 =	ssub.s32 s1, s0;
	[sflag:s15] =	ssyncadd.s32 $0xFFFFC000  }
0x49: {  	s0 =	smax.u32 s0, $0x1;
	_ =	swait.ge [sflag:s19], $0x4000  }
0x4a: {  	p0 =	sne.s32 s0, $0x1;
	[sflag:s19] =	ssyncset.done $0x0  }
.Ltmp0:
0x4b: {  	[sflag:s19] =	ssyncadd.s32 $0xFFFFC000;
	(pc) =	sbr.rel @!p0 .LBB2_2-.Ltmp0, $4  }
0x4c: {  	_ =	swait.ge [sflag:s23], $0x4000  }
0x4d: {  	[sflag:s23] =	ssyncset.done $0x0  }
0x4e: {  	[sflag:s23] =	ssyncadd.s32 $0xFFFFC000  }
0x4f: {  	s1 =	sadd.s32 $0xFFFFFFFF, s0;
	_ =	swait.ge [sflag:s25], $0x4000  }
.LBB2_1:
0x50: {  	[sflag:s25] =	ssyncset.done $0x0  }
0x51: {  	s0 =	rddreg [dreg:$0x3];
	[sflag:s25] =	ssyncadd.s32 $0xFFFFC000  }
0x52: {  	[tilespmem:s3], [sflag:$0x9] =	stream.linear.gather [hbm4b:s0+s3], $0x400, $0x38;
	[tilespmem:$0x10400] =	vst v63  }
0x53: {  	_ =	swait.ge [sflag:s4], $0x400  }
0x54: {  	[sflag:s4] =	ssyncset.done $0x0  }
0x55: {  	[sflag:s4] =	ssyncadd.s32 $0xFFFFFC00  }
0x56: {  	[tilespmem:s6], [sflag:$0x1] =	stream.indirect.gather [hbm4b:s2+s5], $0x80, s3, s5, $0xb8;
	[tilespmem:$0x10400] =	vst v63  }
0x57: {  	_ = 	snop  }
0x58: {  	[tilespmem:s7], [sflag:$0x2] =	stream.indirect.gather [hbm4b:s2+s5], $0x80, s5, s5, $0xb8;
	[tilespmem:$0x10400] =	vst v63  }
0x59: {  	_ = 	snop  }
0x5a: {  	[tilespmem:s9], [sflag:$0x3] =	stream.indirect.gather [hbm4b:s2+s5], $0x80, s8, s5, $0xb8;
	[tilespmem:$0x10400] =	vst v63  }
0x5b: {  	_ =	swait.ge [sflag:s10], $0x4000  }
0x5c: {  	[sflag:s10] =	ssyncset.done $0x0  }
0x5d: {  	s0 =	rddreg [dreg:$0x4];
	[sflag:s10] =	ssyncadd.s32 $0xFFFFC000  }
0x5e: {  	[hbm4b:s0+s3] =	stream.linear.scatter [tilespmem:s6], [sflag:$0x5], $0x4000, $0x38;
	[tilespmem:$0x10400] =	vst v63  }
0x5f: {  	_ = 	snop  }
0x60: {  	[tilespmem:s12], [sflag:$0x4] =	stream.indirect.gather [hbm4b:s2+s5], $0x80, s11, s5, $0xb8;
	[tilespmem:$0x10400] =	vst v63  }
0x61: {  	_ =	swait.ge [sflag:s13], $0x4000  }
0x62: {  	[sflag:s13] =	ssyncset.done $0x0  }
0x63: {  	[sflag:s13] =	ssyncadd.s32 $0xFFFFC000  }
0x64: {  	[hbm4b:s14+s3] =	stream.linear.scatter [tilespmem:s7], [sflag:$0x6], $0x4000, $0x38;
	[tilespmem:$0x10400] =	vst v63  }
0x65: {  	_ =	swait.ge [sflag:s15], $0x4000  }
0x66: {  	[sflag:s15] =	ssyncset.done $0x0  }
0x67: {  	[sflag:s15] =	ssyncadd.s32 $0xFFFFC000  }
0x68: {  	[tilespmem:s6], [sflag:$0x1] =	stream.indirect.gather [hbm4b:s2+s5], $0x80, s16, s5, $0xb8;
	[tilespmem:$0x10400] =	vst v63  }
0x69: {  	_ =	swait.ge [sflag:s17], $0x4000  }
0x6a: {  	[sflag:s17] =	ssyncset.done $0x0  }
0x6b: {  	[sflag:s17] =	ssyncadd.s32 $0xFFFFC000  }
0x6c: {  	[hbm4b:s18+s3] =	stream.linear.scatter [tilespmem:s9], [sflag:$0x7], $0x4000, $0x38;
	[tilespmem:$0x10400] =	vst v63  }
0x6d: {  	_ =	swait.ge [sflag:s19], $0x4000  }
0x6e: {  	[sflag:s19] =	ssyncset.done $0x0  }
0x6f: {  	[sflag:s19] =	ssyncadd.s32 $0xFFFFC000  }
0x70: {  	[tilespmem:s7], [sflag:$0x2] =	stream.indirect.gather [hbm4b:s2+s5], $0x80, s20, s5, $0xb8;
	[tilespmem:$0x10400] =	vst v63  }
0x71: {  	_ =	swait.ge [sflag:s21], $0x4000  }
0x72: {  	[sflag:s21] =	ssyncset.done $0x0  }
0x73: {  	[sflag:s21] =	ssyncadd.s32 $0xFFFFC000  }
0x74: {  	[hbm4b:s22+s3] =	stream.linear.scatter [tilespmem:s12], [sflag:$0x8], $0x4000, $0x38;
	[tilespmem:$0x10400] =	vst v63  }
0x75: {  	_ =	swait.ge [sflag:s23], $0x4000  }
0x76: {  	[sflag:s23] =	ssyncset.done $0x0  }
0x77: {  	[sflag:s23] =	ssyncadd.s32 $0xFFFFC000  }
0x78: {  	[tilespmem:s9], [sflag:$0x3] =	stream.indirect.gather [hbm4b:s2+s5], $0x80, s24, s5, $0xb8;
	[tilespmem:$0x10400] =	vst v63  }
0x79: {  	_ =	swait.ge [sflag:s10], $0x4000  }
0x7a: {  	[sflag:s10] =	ssyncset.done $0x0  }
0x7b: {  	[sflag:s10] =	ssyncadd.s32 $0xFFFFC000  }
0x7c: {  	[hbm4b:s26+s3] =	stream.linear.scatter [tilespmem:s6], [sflag:$0x5], $0x4000, $0x38;
	[tilespmem:$0x10400] =	vst v63  }
0x7d: {  	_ =	swait.ge [sflag:s25], $0x4000  }
0x7e: {  	[sflag:s25] =	ssyncset.done $0x0  }
0x7f: {  	[sflag:s25] =	ssyncadd.s32 $0xFFFFC000  }
0x80: {  	[tilespmem:s12], [sflag:$0x4] =	stream.indirect.gather [hbm4b:s2+s5], $0x80, s28, s5, $0xb8;
	[tilespmem:$0x10400] =	vst v63  }
0x81: {  	_ =	swait.ge [sflag:s13], $0x4000  }
0x82: {  	[sflag:s13] =	ssyncset.done $0x0  }
0x83: {  	[sflag:s13] =	ssyncadd.s32 $0xFFFFC000  }
0x84: {  	[hbm4b:s29+s3] =	stream.linear.scatter [tilespmem:s7], [sflag:$0x6], $0x4000, $0x38;
	[tilespmem:$0x10400] =	vst v63  }
0x85: {  	_ =	swait.ge [sflag:s17], $0x4000  }
0x86: {  	[sflag:s17] =	ssyncset.done $0x0  }
0x87: {  	[sflag:s17] =	ssyncadd.s32 $0xFFFFC000  }
0x88: {  	[hbm4b:s30+s3] =	stream.linear.scatter [tilespmem:s9], [sflag:$0x7], $0x4000, $0x38;
	[tilespmem:$0x10400] =	vst v63  }
0x89: {  	_ =	swait.ge [sflag:s21], $0x4000  }
0x8a: {  	[sflag:s21] =	ssyncset.done $0x0  }
0x8b: {  	[sflag:s21] =	ssyncadd.s32 $0xFFFFC000  }
0x8c: {  	[hbm4b:s31+s3] =	stream.linear.scatter [tilespmem:s12], [sflag:$0x8], $0x4000, $0x38;
	[tilespmem:$0x10400] =	vst v63  }
0x8d: {  	_ =	swait.ge [sflag:s15], $0x4000  }
0x8e: {  	[sflag:s15] =	ssyncset.done $0x0  }
0x8f: {  	[sflag:s15] =	ssyncadd.s32 $0xFFFFC000  }
0x90: {  	_ =	swait.ge [sflag:s19], $0x4000  }
0x91: {  	p0 =	sne.s32 s1, $0x1;
	[sflag:s19] =	ssyncset.done $0x0  }
.Ltmp1:
0x92: {  	[sflag:s19] =	ssyncadd.s32 $0xFFFFC000;
	(pc) =	sbr.rel @p0 .LBB2_1-.Ltmp1, $4  }
0x93: {  	_ =	swait.ge [sflag:s23], $0x4000  }
0x94: {  	[sflag:s23] =	ssyncset.done $0x0  }
0x95: {  	[sflag:s23] =	ssyncadd.s32 $0xFFFFC000  }
0x96: {  	s1 =	sadd.s32 $0xFFFFFFFF, s1;
	_ =	swait.ge [sflag:s25], $0x4000  }
.LBB2_2:
0x97: {  	[sflag:s25] =	ssyncset.done $0x0  }
0x98: {  	[sflag:s25] =	ssyncadd.s32 $0xFFFFC000  }
0x99: {  	_ =	sfence.sel $0x180000  }
0x9a: {  	[bflag:$0x0] =	sbarrier.arrive $0xFFFF  }
0x9b: {  	_ =	strace $0x90000047  }
0x9c: {  	s0 =	stileid.u32;
	[bflag:$0x2] =	sbarrier.arrive $0xFFFF  }
0x9d: {  	p0 =	sne.s32 s0, $0x0;
	s0 =	rddreg [dreg:$0x2]  }
0x9e: {  	s0 =	sadd.s32 @!p0 $0x100000, s0  }
0x9f: {  	[sflag:s0] =	ssyncadd.tile.s32 @!p0 $0x1;
	_ =	shalt  }
.Lfunc_end2:
_tile_overlayer_lowered:
.L_overlay_start_2:
0xa0: {  	(tag) =	ssettag $0x2  }
0xa1: {  	s0 =	rddreg [dreg:$0x0];
	s2 =	stileid.u32  }
0xa2: {  	s1 =	rddreg [dreg:$0x1];
	p0 =	sne.s32 s2, $0x0  }
0xa3: {  	s3 =	rddreg [dreg:$0x2];
	[bflag:$0x3] =	sbarrier.arrive $0xFFFF;
	s2 =	simm.s32 @!p0 $0x1C09  }
0xa4: {  	[timem:s3], [sflag:s2] =	dma.local @!p0 [hbm:s0], s1  }
0xa5: {  	s0 =	simm.s32 @!p0 $0x9  }
0xa6: {  	_ =	swait.ge @!p0 [sflag:s0], s1  }
0xa7: {  	s1 =	ssub.s32 @!p0 $0x0, s1;
	[sflag:s0] =	ssyncset.done @!p0 $0x0  }
0xa8: {  	[sflag:s0] =	ssyncadd.s32 @!p0 s1  }
0xa9: {  	[bflag:$0x3] =	sbarrier.arrive $0xFFFF  }
0xaa: {  	_ =	shalt  }

</sc_bundles>
